<compile_context>
chip_gen: v7x
topology: tpu7x:2x2x1
jax: 0.10.2.dev20260603
libtpu: 0.0.44.dev20260713+nightly
codegen_flags: <defaults>
</compile_context>

<pallas_src>
import functools

import jax
import jax.numpy as jnp
from jax import lax
from jax.experimental import pallas as pl
from jax.experimental.pallas import tpu as pltpu
from jax.experimental.pallas import tpu_sc as plsc

F32 = jnp.float32
BF16 = jnp.bfloat16
I32 = jnp.int32

N_TOK = 2048
D_MODEL = 1024
DH = D_MODEL // 2
N_EXP = 8
D_EXP = 256
D_SHARED = 512
EP = 128
M_TILE = 512
N_TILES = 16
N_SLOT = N_TILES * M_TILE
RB = 512
N_RB = N_TOK // RB
CB = 512
N_CB = N_TOK // CB
NUM_SC_CORES = 2
NUM_SC_SUBCORES = 16
N_WORKERS = NUM_SC_CORES * NUM_SC_SUBCORES
TPW = N_TOK // N_WORKERS


def _pack_bf16(v):
    lo = lax.bitcast_convert_type(v[:, :DH], jnp.int16).astype(I32) & 0xFFFF
    hi = lax.bitcast_convert_type(v[:, DH:], jnp.int16).astype(I32)
    return lax.shift_left(hi, 16) | lo


def _unpack_bf16(p):
    lo = lax.bitcast_convert_type(p.astype(jnp.int16), BF16)
    hi = lax.bitcast_convert_type(
        lax.shift_right_logical(p, 16).astype(jnp.int16), BF16)
    return jnp.concatenate([lo, hi], axis=1)


def _router_body(x_ref, wg_ref, meta_ref, cnt_ref, xp_ref, carry):
    i = pl.program_id(0)

    @pl.when(i == 0)
    def _init():
        carry[...] = jnp.zeros_like(carry)

    xb = x_ref[...]
    xp_ref[...] = _pack_bf16(xb.astype(BF16))
    logits = jnp.dot(xb, wg_ref[...], preferred_element_type=F32)
    colf = lax.broadcasted_iota(jnp.int32, (RB, EP), 1).astype(F32)
    valid = colf < float(N_EXP)
    logits = jnp.where(valid, logits, -1e30)
    mx = jnp.max(logits, axis=1, keepdims=True)
    ex = jnp.exp(logits - mx)
    probs = ex / jnp.sum(ex, axis=1, keepdims=True)
    v1 = jnp.max(jnp.where(valid, probs, -1.0), axis=1, keepdims=True)
    i1 = jnp.min(jnp.where(valid & (probs == v1), colf, 127.0),
                 axis=1, keepdims=True)
    oh1 = colf == i1
    probs2 = jnp.where(oh1 | ~valid, -1.0, probs)
    v2 = jnp.max(probs2, axis=1, keepdims=True)
    i2 = jnp.min(jnp.where(probs2 == v2, colf, 127.0), axis=1, keepdims=True)
    oh2 = colf == i2

    m = (oh1 | oh2).astype(F32)
    rowi = lax.broadcasted_iota(jnp.int32, (RB, RB), 0)
    coli = lax.broadcasted_iota(jnp.int32, (RB, RB), 1)
    tril = (coli < rowi).astype(F32)
    within = jnp.dot(tril, m, preferred_element_type=F32)
    rank = within + carry[...]
    r1 = jnp.sum(jnp.where(oh1, rank, 0.0), axis=1, keepdims=True)
    r2 = jnp.sum(jnp.where(oh2, rank, 0.0), axis=1, keepdims=True)
    carry[...] = carry[...] + jnp.sum(m, axis=0, keepdims=True)

    coli2 = lax.broadcasted_iota(jnp.int32, (RB, EP), 1)
    meta = jnp.where(coli2 == 0, i1, 0.0)
    meta = jnp.where(coli2 == 1, i2, meta)
    meta = jnp.where(coli2 == 2, v1, meta)
    meta = jnp.where(coli2 == 3, v2, meta)
    meta = jnp.where(coli2 == 4, r1, meta)
    meta = jnp.where(coli2 == 5, r2, meta)
    meta_ref[...] = meta
    cnt_ref[...] = jnp.broadcast_to(carry[...], (8, EP))


def _router_call(x2, wg_pad):
    return pl.pallas_call(
        _router_body,
        grid=(N_RB,),
        in_specs=[
            pl.BlockSpec((RB, D_MODEL), lambda i: (i, 0)),
            pl.BlockSpec((D_MODEL, EP), lambda i: (0, 0)),
        ],
        out_specs=[pl.BlockSpec((RB, EP), lambda i: (i, 0)),
                   pl.BlockSpec((8, EP), lambda i: (0, 0)),
                   pl.BlockSpec((RB, DH), lambda i: (i, 0))],
        out_shape=[jax.ShapeDtypeStruct((N_TOK, EP), F32),
                   jax.ShapeDtypeStruct((8, EP), F32),
                   jax.ShapeDtypeStruct((N_TOK, DH), I32)],
        scratch_shapes=[pltpu.VMEM((1, EP), F32)],
    )(x2, wg_pad)


def _finalize_body(cnt_ref, meta_ref, pos1_ref, pos2_ref, te_ref):
    cnt = cnt_ref[0:1, :]
    padded = jnp.ceil(cnt / float(M_TILE)) * float(M_TILE)
    rowi = lax.broadcasted_iota(jnp.int32, (EP, EP), 0)
    coli = lax.broadcasted_iota(jnp.int32, (EP, EP), 1)
    upper = (rowi < coli).astype(F32)
    starts = jnp.dot(padded, upper, preferred_element_type=F32)
    ends_t = (starts + padded) / float(M_TILE)
    validE = coli < N_EXP
    en_b = jnp.broadcast_to(ends_t, (EP, EP))
    cnt_le = jnp.sum(jnp.where(validE & (en_b <= rowi.astype(F32)), 1.0, 0.0),
                     axis=1, keepdims=True)
    te = jnp.minimum(cnt_le, float(N_EXP - 1))
    te_ref[...] = jnp.broadcast_to(te, (EP, EP))
    colt = lax.broadcasted_iota(jnp.int32, (N_TOK, EP), 1).astype(F32)
    starts_b = jnp.broadcast_to(starts, (N_TOK, EP))
    e1 = meta_ref[:, 0:1]
    e2 = meta_ref[:, 1:2]
    r1 = meta_ref[:, 4:5]
    r2 = meta_ref[:, 5:6]
    s1 = jnp.sum(jnp.where(colt == e1, starts_b, 0.0), axis=1, keepdims=True)
    s2 = jnp.sum(jnp.where(colt == e2, starts_b, 0.0), axis=1, keepdims=True)
    pos1_ref[...] = jnp.broadcast_to(s1 + r1, (N_TOK, EP))
    pos2_ref[...] = jnp.broadcast_to(s2 + r2, (N_TOK, EP))


def _finalize_call(cnt, meta):
    full = lambda shp: pl.BlockSpec(shp, lambda: (0, 0))
    return pl.pallas_call(
        _finalize_body,
        in_specs=[full((8, EP)), full((N_TOK, EP))],
        out_specs=[full((N_TOK, EP)), full((N_TOK, EP)), full((EP, EP))],
        out_shape=[jax.ShapeDtypeStruct((N_TOK, EP), F32),
                   jax.ShapeDtypeStruct((N_TOK, EP), F32),
                   jax.ShapeDtypeStruct((EP, EP), F32)],
    )(cnt, meta)


def _grouped_ffn_body(te_ref, xs_ref, wg_ref, wu_ref, wd_ref, ys_ref):
    e = te_ref[pl.program_id(0)]
    xb = _unpack_bf16(xs_ref[...])
    g = jnp.dot(xb, wg_ref[e], preferred_element_type=F32)
    u = jnp.dot(xb, wu_ref[e], preferred_element_type=F32)
    h = (g * jax.nn.sigmoid(g) * u).astype(BF16)
    y = jnp.dot(h, wd_ref[e], preferred_element_type=F32)
    ys_ref[...] = _pack_bf16(y.astype(BF16))


def _grouped_ffn_call(te, xs, wg_e, wu_e, wd_e):
    grid_spec = pltpu.PrefetchScalarGridSpec(
        num_scalar_prefetch=1,
        grid=(N_TILES,),
        in_specs=[
            pl.BlockSpec((M_TILE, DH), lambda i, te: (i, 0)),
            pl.BlockSpec((N_EXP, D_MODEL, D_EXP), lambda i, te: (0, 0, 0)),
            pl.BlockSpec((N_EXP, D_MODEL, D_EXP), lambda i, te: (0, 0, 0)),
            pl.BlockSpec((N_EXP, D_EXP, D_MODEL), lambda i, te: (0, 0, 0)),
        ],
        out_specs=pl.BlockSpec((M_TILE, DH), lambda i, te: (i, 0)),
    )
    return pl.pallas_call(
        _grouped_ffn_body,
        grid_spec=grid_spec,
        out_shape=jax.ShapeDtypeStruct((N_SLOT, DH), I32),
    )(te, xs, wg_e, wu_e, wd_e)


def _shared_combine_body(x_ref, wgs_ref, wus_ref, wds_ref,
                         y1_ref, y2_ref, meta_ref, out_ref):
    xb = _unpack_bf16(x_ref[...])
    g = jnp.dot(xb, wgs_ref[...], preferred_element_type=F32)
    u = jnp.dot(xb, wus_ref[...], preferred_element_type=F32)
    h = (g * jax.nn.sigmoid(g) * u).astype(BF16)
    sh = jnp.dot(h, wds_ref[...], preferred_element_type=F32)
    w1 = meta_ref[:, 2:3]
    w2 = meta_ref[:, 3:4]
    y1 = _unpack_bf16(y1_ref[...]).astype(F32)
    y2 = _unpack_bf16(y2_ref[...]).astype(F32)
    out_ref[...] = sh + w1 * y1 + w2 * y2


def _shared_combine_call(xp, wg_s, wu_s, wd_s, y1, y2, meta):
    return pl.pallas_call(
        _shared_combine_body,
        grid=(N_CB,),
        in_specs=[
            pl.BlockSpec((CB, DH), lambda i: (i, 0)),
            pl.BlockSpec((D_MODEL, D_SHARED), lambda i: (0, 0)),
            pl.BlockSpec((D_MODEL, D_SHARED), lambda i: (0, 0)),
            pl.BlockSpec((D_SHARED, D_MODEL), lambda i: (0, 0)),
            pl.BlockSpec((CB, DH), lambda i: (i, 0)),
            pl.BlockSpec((CB, DH), lambda i: (i, 0)),
            pl.BlockSpec((CB, EP), lambda i: (i, 0)),
        ],
        out_specs=pl.BlockSpec((CB, D_MODEL), lambda i: (i, 0)),
        out_shape=jax.ShapeDtypeStruct((N_TOK, D_MODEL), F32),
    )(xp, wg_s, wu_s, wd_s, y1, y2, meta)


def _scatter_x_call(xp, pos1, pos2):
    mesh = plsc.VectorSubcoreMesh(core_axis_name="c", subcore_axis_name="s")

    @functools.partial(
        pl.kernel,
        out_type=jax.ShapeDtypeStruct((N_SLOT, DH), I32),
        mesh=mesh,
        scratch_types=[
            pltpu.VMEM((TPW, DH), I32),
            pltpu.VMEM((TPW,), jnp.int32),
            pltpu.VMEM((TPW,), jnp.int32),
            pltpu.SemaphoreType.DMA,
        ],
    )
    def _scatter(x_hbm, p1_hbm, p2_hbm, xs_hbm, xbuf, i1v, i2v, sem):
        wid = lax.axis_index("s") * NUM_SC_CORES + lax.axis_index("c")
        base = wid * TPW
        pltpu.sync_copy(x_hbm.at[pl.ds(base, TPW)], xbuf)
        pltpu.sync_copy(p1_hbm.at[pl.ds(base, TPW)], i1v)
        pltpu.sync_copy(p2_hbm.at[pl.ds(base, TPW)], i2v)
        pltpu.async_copy(xbuf, xs_hbm.at[i1v], sem).wait()
        pltpu.async_copy(xbuf, xs_hbm.at[i2v], sem).wait()

    return _scatter(xp, pos1, pos2)


def _gather_ys_call(ys, pos1, pos2):
    mesh = plsc.VectorSubcoreMesh(core_axis_name="c", subcore_axis_name="s")

    @functools.partial(
        pl.kernel,
        out_type=(jax.ShapeDtypeStruct((N_TOK, DH), I32),
                  jax.ShapeDtypeStruct((N_TOK, DH), I32)),
        mesh=mesh,
        scratch_types=[
            pltpu.VMEM((TPW, DH), I32),
            pltpu.VMEM((TPW, DH), I32),
            pltpu.VMEM((TPW,), jnp.int32),
            pltpu.VMEM((TPW,), jnp.int32),
            pltpu.SemaphoreType.DMA,
        ],
    )
    def _gather(ys_hbm, p1_hbm, p2_hbm, y1_hbm, y2_hbm, buf1, buf2,
                i1v, i2v, sem):
        wid = lax.axis_index("s") * NUM_SC_CORES + lax.axis_index("c")
        base = wid * TPW
        pltpu.sync_copy(p1_hbm.at[pl.ds(base, TPW)], i1v)
        pltpu.sync_copy(p2_hbm.at[pl.ds(base, TPW)], i2v)
        c1 = pltpu.async_copy(ys_hbm.at[i1v], buf1, sem)
        c2 = pltpu.async_copy(ys_hbm.at[i2v], buf2, sem)
        c1.wait()
        pltpu.sync_copy(buf1, y1_hbm.at[pl.ds(base, TPW)])
        c2.wait()
        pltpu.sync_copy(buf2, y2_hbm.at[pl.ds(base, TPW)])

    return _gather(ys, pos1, pos2)


def kernel(x, W_g, Wg_e, Wu_e, Wd_e, Wg_s, Wu_s, Wd_s):
    b, t, d = x.shape
    x2 = x.reshape(b * t, d)
    wg_pad = jnp.zeros((D_MODEL, EP), F32).at[:, :N_EXP].set(W_g)

    meta, cnt, xp = _router_call(x2, wg_pad)
    pos1b, pos2b, teb = _finalize_call(cnt, meta)

    pos1 = pos1b[:, 0].astype(jnp.int32)
    pos2 = pos2b[:, 0].astype(jnp.int32)
    te = teb[:N_TILES, 0].astype(jnp.int32)

    xs = _scatter_x_call(xp, pos1, pos2)
    ys = _grouped_ffn_call(te, xs, Wg_e.astype(BF16), Wu_e.astype(BF16),
                           Wd_e.astype(BF16))
    y1, y2 = _gather_ys_call(ys, pos1, pos2)
    out = _shared_combine_call(xp, Wg_s.astype(BF16), Wu_s.astype(BF16),
                               Wd_s.astype(BF16), y1, y2, meta)
    return out.reshape(b, t, d)

# --- scband reference (transcript-rebuilt; emitter-appended) ---
"""Pipeline reference for scband-mo-e-67242007986677 (READ-ONLY COPY).

The authoritative reference and input builder live on the scoring server;
editing this copy changes nothing except your own understanding.
"""

import jax, jax.numpy as jnp
import numpy as np

B, T, D = 1, 2048, 1024
E, TOPK, DE = 8, 2, 256
DE_SHARED = 256 * 2  # d_expert * n_shared_experts


def setup_inputs(seed: int = 0) -> dict:
    key = jax.random.key(seed)
    ks = jax.random.split(key, 8)
    s = 1.0 / np.sqrt(D)
    se = 1.0 / np.sqrt(DE)
    x = jax.random.normal(ks[0], (B, T, D), dtype=jnp.float32)
    W_g = jax.random.normal(ks[1], (D, E), dtype=jnp.float32) * s
    Wg_e = jax.random.normal(ks[2], (E, D, DE), dtype=jnp.float32) * s
    Wu_e = jax.random.normal(ks[3], (E, D, DE), dtype=jnp.float32) * s
    Wd_e = jax.random.normal(ks[4], (E, DE, D), dtype=jnp.float32) * se
    Wg_s = jax.random.normal(ks[5], (D, DE_SHARED), dtype=jnp.float32) * s
    Wu_s = jax.random.normal(ks[6], (D, DE_SHARED), dtype=jnp.float32) * s
    Wd_s = jax.random.normal(ks[7], (DE_SHARED, D), dtype=jnp.float32) * (1.0 / np.sqrt(DE_SHARED))
    return {"x": x, "W_g": W_g, "Wg_e": Wg_e, "Wu_e": Wu_e, "Wd_e": Wd_e,
            "Wg_s": Wg_s, "Wu_s": Wu_s, "Wd_s": Wd_s}


def _expert(xf, Wg, Wu, Wd):
    gate = jax.nn.silu(xf @ Wg)
    up = xf @ Wu
    return (gate * up) @ Wd


def reference(x, W_g, Wg_e, Wu_e, Wd_e, Wg_s, Wu_s, Wd_s):
    b, t, d = x.shape
    n = b * t
    x_flat = x.reshape(n, d)
    # shared expert (always applied)
    shared_out = _expert(x_flat, Wg_s, Wu_s, Wd_s)
    # gate: softmax then top-k (sorted=False in torch; sum over slots is order-invariant)
    logits = x_flat @ W_g
    probs = jax.nn.softmax(logits, axis=-1)
    topk_vals, topk_ids = jax.lax.top_k(probs, TOPK)  # [n, k]
    n_experts = W_g.shape[1]
    # per-token per-expert routing weight (equivalent to sorted dispatch + weighted scatter_add)
    onehot = jax.nn.one_hot(topk_ids, n_experts, dtype=x.dtype)  # [n, k, E]
    w_tok = jnp.sum(onehot * topk_vals[..., None], axis=1)  # [n, E]
    # run every expert over all tokens, mask-combine (same math as gather/scatter dispatch)
    outs = jax.vmap(lambda Wg, Wu, Wd: _expert(x_flat, Wg, Wu, Wd))(Wg_e, Wu_e, Wd_e)  # [E, n, d]
    routed = jnp.einsum('ne,end->nd', w_tok, outs)
    return (shared_out + routed).reshape(b, t, d)

if __name__ == "__main__":
    import jax
    _d = setup_inputs()
    print(jax.jit(kernel)(*tuple(_d.values())))

</pallas_src>

<mosaic_0001>
#map = affine_map<(d0, d1) -> (0, 0)>
#map1 = affine_map<(d0, d1) -> (0)>
module attributes {stable_mosaic.version = 14 : i64} {
  func.func @_scatter(%arg0: i32, %arg1: i32, %arg2: memref<2048x512xi32, #tpu.memory_space<hbm>>, %arg3: memref<2048xi32, #tpu.memory_space<hbm>>, %arg4: memref<2048xi32, #tpu.memory_space<hbm>>, %arg5: memref<8192x512xi32, #tpu.memory_space<hbm>>, %arg6: memref<64x512xi32, #tpu.memory_space<vmem>>, %arg7: memref<64xi32, #tpu.memory_space<vmem>>, %arg8: memref<64xi32, #tpu.memory_space<vmem>>, %arg9: memref<!tpu.dma_semaphore, #tpu.memory_space<semaphore_mem>>) attributes {dimension_semantics = [#tpu.dimension_semantics<core_parallel>, #tpu.dimension_semantics<subcore_parallel>], iteration_bounds = array<i64: 2, 16>, scalar_prefetch = 0 : i64, scratch_operands = 4 : i64, tpu.core_type = #tpu.core_type<sc_vector_subcore>, window_params = [{transform_indices = #map}, {transform_indices = #map1}, {transform_indices = #map1}, {transform_indices = #map}]} {
    %mul3A = arith.constant 2 : i32
    %mul3A_0 = arith.muli %arg1, %mul3A : i32
    %add3A = arith.addi %mul3A_0, %arg0 : i32
    %mul3A_1 = arith.constant 64 : i32
    %mul3A_2 = arith.muli %add3A, %mul3A_1 : i32
    "tpu.region"() ({
      %run_scoped3A = tpu.sem_alloc : memref<!tpu.dma_semaphore, #tpu.memory_space<semaphore_mem>>
      %dma_start3A_13 = arith.constant 0 : i32
      %dma_start3A_14 = tpu.memref_slice %arg2[%mul3A_2, %dma_start3A_13] : memref<2048x512xi32, #tpu.memory_space<hbm>> -> memref<64x512xi32, #tpu.memory_space<hbm>>
      %dma_start3A_15 = arith.constant 0 : i32
      %dma_start3A_16 = tpu.memref_slice %arg2[%mul3A_2, %dma_start3A_15] : memref<2048x512xi32, #tpu.memory_space<hbm>> -> memref<64x512xi32, #tpu.memory_space<hbm>>
      tpu.enqueue_dma source(%dma_start3A_16 : memref<64x512xi32, #tpu.memory_space<hbm>>) target(%arg6 : memref<64x512xi32, #tpu.memory_space<vmem>>) target_semaphore(%run_scoped3A : memref<!tpu.dma_semaphore, #tpu.memory_space<semaphore_mem>>)
      %dma_wait3A_17 = arith.constant 0 : i32
      %dma_wait3A_18 = tpu.memref_slice %arg2[%mul3A_2, %dma_wait3A_17] : memref<2048x512xi32, #tpu.memory_space<hbm>> -> memref<64x512xi32, #tpu.memory_space<hbm>>
      %dma_wait3A_19 = arith.constant 0 : i32
      %dma_wait3A_20 = tpu.memref_slice %arg2[%mul3A_2, %dma_wait3A_19] : memref<2048x512xi32, #tpu.memory_space<hbm>> -> memref<64x512xi32, #tpu.memory_space<hbm>>
      tpu.wait_dma2 semaphore(%run_scoped3A : memref<!tpu.dma_semaphore, #tpu.memory_space<semaphore_mem>>) src(%dma_wait3A_20 : memref<64x512xi32, #tpu.memory_space<hbm>>) dst(%arg6 : memref<64x512xi32, #tpu.memory_space<vmem>>)
      tpu.yield
    }) : () -> ()
    "tpu.region"() ({
      %run_scoped3A = tpu.sem_alloc : memref<!tpu.dma_semaphore, #tpu.memory_space<semaphore_mem>>
      %dma_start3A_13 = tpu.memref_slice %arg3[%mul3A_2] : memref<2048xi32, #tpu.memory_space<hbm>> -> memref<64xi32, #tpu.memory_space<hbm>>
      %dma_start3A_14 = tpu.memref_slice %arg3[%mul3A_2] : memref<2048xi32, #tpu.memory_space<hbm>> -> memref<64xi32, #tpu.memory_space<hbm>>
      tpu.enqueue_dma source(%dma_start3A_14 : memref<64xi32, #tpu.memory_space<hbm>>) target(%arg7 : memref<64xi32, #tpu.memory_space<vmem>>) target_semaphore(%run_scoped3A : memref<!tpu.dma_semaphore, #tpu.memory_space<semaphore_mem>>)
      %dma_wait3A_15 = tpu.memref_slice %arg3[%mul3A_2] : memref<2048xi32, #tpu.memory_space<hbm>> -> memref<64xi32, #tpu.memory_space<hbm>>
      %dma_wait3A_16 = tpu.memref_slice %arg3[%mul3A_2] : memref<2048xi32, #tpu.memory_space<hbm>> -> memref<64xi32, #tpu.memory_space<hbm>>
      tpu.wait_dma2 semaphore(%run_scoped3A : memref<!tpu.dma_semaphore, #tpu.memory_space<semaphore_mem>>) src(%dma_wait3A_16 : memref<64xi32, #tpu.memory_space<hbm>>) dst(%arg7 : memref<64xi32, #tpu.memory_space<vmem>>)
      tpu.yield
    }) : () -> ()
    "tpu.region"() ({
      %run_scoped3A = tpu.sem_alloc : memref<!tpu.dma_semaphore, #tpu.memory_space<semaphore_mem>>
      %dma_start3A_13 = tpu.memref_slice %arg4[%mul3A_2] : memref<2048xi32, #tpu.memory_space<hbm>> -> memref<64xi32, #tpu.memory_space<hbm>>
      %dma_start3A_14 = tpu.memref_slice %arg4[%mul3A_2] : memref<2048xi32, #tpu.memory_space<hbm>> -> memref<64xi32, #tpu.memory_space<hbm>>
      tpu.enqueue_dma source(%dma_start3A_14 : memref<64xi32, #tpu.memory_space<hbm>>) target(%arg8 : memref<64xi32, #tpu.memory_space<vmem>>) target_semaphore(%run_scoped3A : memref<!tpu.dma_semaphore, #tpu.memory_space<semaphore_mem>>)
      %dma_wait3A_15 = tpu.memref_slice %arg4[%mul3A_2] : memref<2048xi32, #tpu.memory_space<hbm>> -> memref<64xi32, #tpu.memory_space<hbm>>
      %dma_wait3A_16 = tpu.memref_slice %arg4[%mul3A_2] : memref<2048xi32, #tpu.memory_space<hbm>> -> memref<64xi32, #tpu.memory_space<hbm>>
      tpu.wait_dma2 semaphore(%run_scoped3A : memref<!tpu.dma_semaphore, #tpu.memory_space<semaphore_mem>>) src(%dma_wait3A_16 : memref<64xi32, #tpu.memory_space<hbm>>) dst(%arg8 : memref<64xi32, #tpu.memory_space<vmem>>)
      tpu.yield
    }) : () -> ()
    %dma_start3A = arith.constant 0 : i32
    %dma_start3A_3 = arith.constant 0 : i32
    %dma_start3A_4 = tpu.memref_slice %arg5[%dma_start3A, %dma_start3A_3] : memref<8192x512xi32, #tpu.memory_space<hbm>> -> memref<8192x512xi32, #tpu.memory_space<hbm>>
    tpu.enqueue_indirect_dma source(%arg6 : memref<64x512xi32, #tpu.memory_space<vmem>>) target(%dma_start3A_4 : memref<8192x512xi32, #tpu.memory_space<hbm>>) offsets(%arg7 : memref<64xi32, #tpu.memory_space<vmem>>) semaphore(%arg9 : memref<!tpu.dma_semaphore, #tpu.memory_space<semaphore_mem>>)
    %dma_wait3A = arith.constant 0 : i32
    %dma_wait3A_5 = arith.constant 0 : i32
    %dma_wait3A_6 = tpu.memref_slice %arg5[%dma_wait3A, %dma_wait3A_5] : memref<8192x512xi32, #tpu.memory_space<hbm>> -> memref<8192x512xi32, #tpu.memory_space<hbm>>
    tpu.wait_indirect_dma semaphore(%arg9 : memref<!tpu.dma_semaphore, #tpu.memory_space<semaphore_mem>>) src(%arg6 : memref<64x512xi32, #tpu.memory_space<vmem>>) dst(%dma_wait3A_6 : memref<8192x512xi32, #tpu.memory_space<hbm>>)
    %dma_start3A_7 = arith.constant 0 : i32
    %dma_start3A_8 = arith.constant 0 : i32
    %dma_start3A_9 = tpu.memref_slice %arg5[%dma_start3A_7, %dma_start3A_8] : memref<8192x512xi32, #tpu.memory_space<hbm>> -> memref<8192x512xi32, #tpu.memory_space<hbm>>
    tpu.enqueue_indirect_dma source(%arg6 : memref<64x512xi32, #tpu.memory_space<vmem>>) target(%dma_start3A_9 : memref<8192x512xi32, #tpu.memory_space<hbm>>) offsets(%arg8 : memref<64xi32, #tpu.memory_space<vmem>>) semaphore(%arg9 : memref<!tpu.dma_semaphore, #tpu.memory_space<semaphore_mem>>)
    %dma_wait3A_10 = arith.constant 0 : i32
    %dma_wait3A_11 = arith.constant 0 : i32
    %dma_wait3A_12 = tpu.memref_slice %arg5[%dma_wait3A_10, %dma_wait3A_11] : memref<8192x512xi32, #tpu.memory_space<hbm>> -> memref<8192x512xi32, #tpu.memory_space<hbm>>
    tpu.wait_indirect_dma semaphore(%arg9 : memref<!tpu.dma_semaphore, #tpu.memory_space<semaphore_mem>>) src(%arg6 : memref<64x512xi32, #tpu.memory_space<vmem>>) dst(%dma_wait3A_12 : memref<8192x512xi32, #tpu.memory_space<hbm>>)
    return
  }
}

#map = affine_map<(d0, d1) -> (0, 0)>
#map1 = affine_map<(d0, d1) -> (0)>
module attributes {stable_mosaic.version = 14 : i64} {
  func.func @_gather(%arg0: i32, %arg1: i32, %arg2: memref<8192x512xi32, #tpu.memory_space<hbm>>, %arg3: memref<2048xi32, #tpu.memory_space<hbm>>, %arg4: memref<2048xi32, #tpu.memory_space<hbm>>, %arg5: memref<2048x512xi32, #tpu.memory_space<hbm>>, %arg6: memref<2048x512xi32, #tpu.memory_space<hbm>>, %arg7: memref<64x512xi32, #tpu.memory_space<vmem>>, %arg8: memref<64x512xi32, #tpu.memory_space<vmem>>, %arg9: memref<64xi32, #tpu.memory_space<vmem>>, %arg10: memref<64xi32, #tpu.memory_space<vmem>>, %arg11: memref<!tpu.dma_semaphore, #tpu.memory_space<semaphore_mem>>) attributes {dimension_semantics = [#tpu.dimension_semantics<core_parallel>, #tpu.dimension_semantics<subcore_parallel>], iteration_bounds = array<i64: 2, 16>, scalar_prefetch = 0 : i64, scratch_operands = 5 : i64, tpu.core_type = #tpu.core_type<sc_vector_subcore>, window_params = [{transform_indices = #map}, {transform_indices = #map1}, {transform_indices = #map1}, {transform_indices = #map}, {transform_indices = #map}]} {
    %mul3A = arith.constant 2 : i32
    %mul3A_0 = arith.muli %arg1, %mul3A : i32
    %add3A = arith.addi %mul3A_0, %arg0 : i32
    %mul3A_1 = arith.constant 64 : i32
    %mul3A_2 = arith.muli %add3A, %mul3A_1 : i32
    "tpu.region"() ({
      %run_scoped3A = tpu.sem_alloc : memref<!tpu.dma_semaphore, #tpu.memory_space<semaphore_mem>>
      %dma_start3A_13 = tpu.memref_slice %arg3[%mul3A_2] : memref<2048xi32, #tpu.memory_space<hbm>> -> memref<64xi32, #tpu.memory_space<hbm>>
      %dma_start3A_14 = tpu.memref_slice %arg3[%mul3A_2] : memref<2048xi32, #tpu.memory_space<hbm>> -> memref<64xi32, #tpu.memory_space<hbm>>
      tpu.enqueue_dma source(%dma_start3A_14 : memref<64xi32, #tpu.memory_space<hbm>>) target(%arg9 : memref<64xi32, #tpu.memory_space<vmem>>) target_semaphore(%run_scoped3A : memref<!tpu.dma_semaphore, #tpu.memory_space<semaphore_mem>>)
      %dma_wait3A_15 = tpu.memref_slice %arg3[%mul3A_2] : memref<2048xi32, #tpu.memory_space<hbm>> -> memref<64xi32, #tpu.memory_space<hbm>>
      %dma_wait3A_16 = tpu.memref_slice %arg3[%mul3A_2] : memref<2048xi32, #tpu.memory_space<hbm>> -> memref<64xi32, #tpu.memory_space<hbm>>
      tpu.wait_dma2 semaphore(%run_scoped3A : memref<!tpu.dma_semaphore, #tpu.memory_space<semaphore_mem>>) src(%dma_wait3A_16 : memref<64xi32, #tpu.memory_space<hbm>>) dst(%arg9 : memref<64xi32, #tpu.memory_space<vmem>>)
      tpu.yield
    }) : () -> ()
    "tpu.region"() ({
      %run_scoped3A = tpu.sem_alloc : memref<!tpu.dma_semaphore, #tpu.memory_space<semaphore_mem>>
      %dma_start3A_13 = tpu.memref_slice %arg4[%mul3A_2] : memref<2048xi32, #tpu.memory_space<hbm>> -> memref<64xi32, #tpu.memory_space<hbm>>
      %dma_start3A_14 = tpu.memref_slice %arg4[%mul3A_2] : memref<2048xi32, #tpu.memory_space<hbm>> -> memref<64xi32, #tpu.memory_space<hbm>>
      tpu.enqueue_dma source(%dma_start3A_14 : memref<64xi32, #tpu.memory_space<hbm>>) target(%arg10 : memref<64xi32, #tpu.memory_space<vmem>>) target_semaphore(%run_scoped3A : memref<!tpu.dma_semaphore, #tpu.memory_space<semaphore_mem>>)
      %dma_wait3A_15 = tpu.memref_slice %arg4[%mul3A_2] : memref<2048xi32, #tpu.memory_space<hbm>> -> memref<64xi32, #tpu.memory_space<hbm>>
      %dma_wait3A_16 = tpu.memref_slice %arg4[%mul3A_2] : memref<2048xi32, #tpu.memory_space<hbm>> -> memref<64xi32, #tpu.memory_space<hbm>>
      tpu.wait_dma2 semaphore(%run_scoped3A : memref<!tpu.dma_semaphore, #tpu.memory_space<semaphore_mem>>) src(%dma_wait3A_16 : memref<64xi32, #tpu.memory_space<hbm>>) dst(%arg10 : memref<64xi32, #tpu.memory_space<vmem>>)
      tpu.yield
    }) : () -> ()
    %dma_start3A = arith.constant 0 : i32
    %dma_start3A_3 = arith.constant 0 : i32
    %dma_start3A_4 = tpu.memref_slice %arg2[%dma_start3A, %dma_start3A_3] : memref<8192x512xi32, #tpu.memory_space<hbm>> -> memref<8192x512xi32, #tpu.memory_space<hbm>>
    tpu.enqueue_indirect_dma source(%dma_start3A_4 : memref<8192x512xi32, #tpu.memory_space<hbm>>) target(%arg7 : memref<64x512xi32, #tpu.memory_space<vmem>>) offsets(%arg9 : memref<64xi32, #tpu.memory_space<vmem>>) semaphore(%arg11 : memref<!tpu.dma_semaphore, #tpu.memory_space<semaphore_mem>>)
    %dma_start3A_5 = arith.constant 0 : i32
    %dma_start3A_6 = arith.constant 0 : i32
    %dma_start3A_7 = tpu.memref_slice %arg2[%dma_start3A_5, %dma_start3A_6] : memref<8192x512xi32, #tpu.memory_space<hbm>> -> memref<8192x512xi32, #tpu.memory_space<hbm>>
    tpu.enqueue_indirect_dma source(%dma_start3A_7 : memref<8192x512xi32, #tpu.memory_space<hbm>>) target(%arg8 : memref<64x512xi32, #tpu.memory_space<vmem>>) offsets(%arg10 : memref<64xi32, #tpu.memory_space<vmem>>) semaphore(%arg11 : memref<!tpu.dma_semaphore, #tpu.memory_space<semaphore_mem>>)
    %dma_wait3A = arith.constant 0 : i32
    %dma_wait3A_8 = arith.constant 0 : i32
    %dma_wait3A_9 = tpu.memref_slice %arg2[%dma_wait3A, %dma_wait3A_8] : memref<8192x512xi32, #tpu.memory_space<hbm>> -> memref<8192x512xi32, #tpu.memory_space<hbm>>
    tpu.wait_indirect_dma semaphore(%arg11 : memref<!tpu.dma_semaphore, #tpu.memory_space<semaphore_mem>>) src(%dma_wait3A_9 : memref<8192x512xi32, #tpu.memory_space<hbm>>) dst(%arg7 : memref<64x512xi32, #tpu.memory_space<vmem>>)
    "tpu.region"() ({
      %run_scoped3A = tpu.sem_alloc : memref<!tpu.dma_semaphore, #tpu.memory_space<semaphore_mem>>
      %dma_start3A_13 = arith.constant 0 : i32
      %dma_start3A_14 = tpu.memref_slice %arg5[%mul3A_2, %dma_start3A_13] : memref<2048x512xi32, #tpu.memory_space<hbm>> -> memref<64x512xi32, #tpu.memory_space<hbm>>
      %dma_start3A_15 = arith.constant 0 : i32
      %dma_start3A_16 = tpu.memref_slice %arg5[%mul3A_2, %dma_start3A_15] : memref<2048x512xi32, #tpu.memory_space<hbm>> -> memref<64x512xi32, #tpu.memory_space<hbm>>
      tpu.enqueue_dma source(%arg7 : memref<64x512xi32, #tpu.memory_space<vmem>>) target(%dma_start3A_16 : memref<64x512xi32, #tpu.memory_space<hbm>>) target_semaphore(%run_scoped3A : memref<!tpu.dma_semaphore, #tpu.memory_space<semaphore_mem>>)
      %dma_wait3A_17 = arith.constant 0 : i32
      %dma_wait3A_18 = tpu.memref_slice %arg5[%mul3A_2, %dma_wait3A_17] : memref<2048x512xi32, #tpu.memory_space<hbm>> -> memref<64x512xi32, #tpu.memory_space<hbm>>
      %dma_wait3A_19 = arith.constant 0 : i32
      %dma_wait3A_20 = tpu.memref_slice %arg5[%mul3A_2, %dma_wait3A_19] : memref<2048x512xi32, #tpu.memory_space<hbm>> -> memref<64x512xi32, #tpu.memory_space<hbm>>
      tpu.wait_dma2 semaphore(%run_scoped3A : memref<!tpu.dma_semaphore, #tpu.memory_space<semaphore_mem>>) src(%arg7 : memref<64x512xi32, #tpu.memory_space<vmem>>) dst(%dma_wait3A_20 : memref<64x512xi32, #tpu.memory_space<hbm>>)
      tpu.yield
    }) : () -> ()
    %dma_wait3A_10 = arith.constant 0 : i32
    %dma_wait3A_11 = arith.constant 0 : i32
    %dma_wait3A_12 = tpu.memref_slice %arg2[%dma_wait3A_10, %dma_wait3A_11] : memref<8192x512xi32, #tpu.memory_space<hbm>> -> memref<8192x512xi32, #tpu.memory_space<hbm>>
    tpu.wait_indirect_dma semaphore(%arg11 : memref<!tpu.dma_semaphore, #tpu.memory_space<semaphore_mem>>) src(%dma_wait3A_12 : memref<8192x512xi32, #tpu.memory_space<hbm>>) dst(%arg8 : memref<64x512xi32, #tpu.memory_space<vmem>>)
    "tpu.region"() ({
      %run_scoped3A = tpu.sem_alloc : memref<!tpu.dma_semaphore, #tpu.memory_space<semaphore_mem>>
      %dma_start3A_13 = arith.constant 0 : i32
      %dma_start3A_14 = tpu.memref_slice %arg6[%mul3A_2, %dma_start3A_13] : memref<2048x512xi32, #tpu.memory_space<hbm>> -> memref<64x512xi32, #tpu.memory_space<hbm>>
      %dma_start3A_15 = arith.constant 0 : i32
      %dma_start3A_16 = tpu.memref_slice %arg6[%mul3A_2, %dma_start3A_15] : memref<2048x512xi32, #tpu.memory_space<hbm>> -> memref<64x512xi32, #tpu.memory_space<hbm>>
      tpu.enqueue_dma source(%arg8 : memref<64x512xi32, #tpu.memory_space<vmem>>) target(%dma_start3A_16 : memref<64x512xi32, #tpu.memory_space<hbm>>) target_semaphore(%run_scoped3A : memref<!tpu.dma_semaphore, #tpu.memory_space<semaphore_mem>>)
      %dma_wait3A_17 = arith.constant 0 : i32
      %dma_wait3A_18 = tpu.memref_slice %arg6[%mul3A_2, %dma_wait3A_17] : memref<2048x512xi32, #tpu.memory_space<hbm>> -> memref<64x512xi32, #tpu.memory_space<hbm>>
      %dma_wait3A_19 = arith.constant 0 : i32
      %dma_wait3A_20 = tpu.memref_slice %arg6[%mul3A_2, %dma_wait3A_19] : memref<2048x512xi32, #tpu.memory_space<hbm>> -> memref<64x512xi32, #tpu.memory_space<hbm>>
      tpu.wait_dma2 semaphore(%run_scoped3A : memref<!tpu.dma_semaphore, #tpu.memory_space<semaphore_mem>>) src(%arg8 : memref<64x512xi32, #tpu.memory_space<vmem>>) dst(%dma_wait3A_20 : memref<64x512xi32, #tpu.memory_space<hbm>>)
      tpu.yield
    }) : () -> ()
    return
  }
}

module attributes {stable_mosaic.version = 14 : i64} {
  func.func @_router_body(%arg0: i32, %arg1: memref<512x1024xf32, #tpu.memory_space<vmem>>, %arg2: memref<1024x128xf32, #tpu.memory_space<vmem>>, %arg3: memref<512x128xf32, #tpu.memory_space<vmem>>, %arg4: memref<8x128xf32, #tpu.memory_space<vmem>>, %arg5: memref<512x512xi32, #tpu.memory_space<vmem>>, %arg6: memref<1x128xf32, #tpu.memory_space<vmem>>) attributes {dimension_semantics = [#tpu.dimension_semantics<arbitrary>], iteration_bounds = array<i64: 4>, scalar_prefetch = 0 : i64, scratch_operands = 1 : i64, tpu.core_type = #tpu.core_type<tc>, window_params = [{transform_indices = @transform_0, window_bounds = array<i64: 512, 1024>}, {pipeline_mode = #tpu.pipeline_mode<synchronous>, transform_indices = @transform_1, window_bounds = array<i64: 1024, 128>}, {transform_indices = @transform_2, window_bounds = array<i64: 512, 128>}, {pipeline_mode = #tpu.pipeline_mode<synchronous>, transform_indices = @transform_3, window_bounds = array<i64: 8, 128>}, {transform_indices = @transform_4, window_bounds = array<i64: 512, 512>}]} {
    %eq3A = arith.constant 0 : i32
    %eq3A_0 = arith.cmpi eq, %arg0, %eq3A : i32
    %convert_element_type3A = arith.extui %eq3A_0 : i1 to i32
    %cond3A = arith.constant 0 : i32
    %cond3A_1 = arith.cmpi ne, %convert_element_type3A, %cond3A : i32
    scf.if %cond3A_1 {
      %broadcast_in_dim3A_148 = arith.constant 0.000000e+00 : f32
      %broadcast_in_dim3A_149 = vector.broadcast %broadcast_in_dim3A_148 : f32 to vector<1x128xf32>
      %swap3A_150 = arith.constant 0 : index
      %swap3A_151 = arith.constant 0 : index
      %swap3A_152 = vector.load %arg6[%swap3A_150, %swap3A_151] : memref<1x128xf32, #tpu.memory_space<vmem>>, vector<1x128xf32>
      tpu.vector_store %arg6[%swap3A_150, %swap3A_151], %broadcast_in_dim3A_149 {strides = array<i32>} : memref<1x128xf32, #tpu.memory_space<vmem>>, vector<1x128xf32>,
    } else {
    }
    %get3A = arith.constant 0 : index
    %get3A_2 = arith.constant 0 : index
    %get3A_3 = vector.load %arg1[%get3A, %get3A_2] : memref<512x1024xf32, #tpu.memory_space<vmem>>, vector<512x1024xf32>
    %convert_element_type3A_4 = arith.truncf %get3A_3 : vector<512x1024xf32> to vector<512x1024xbf16>
    %slice3A = vector.extract_strided_slice %convert_element_type3A_4 {offsets = [0, 0], sizes = [512, 512], strides = [1, 1]} : vector<512x1024xbf16> to vector<512x512xbf16>
    %bitcast_convert_type3A = tpu.bitcast %slice3A : vector<512x512xbf16> -> vector<512x512xi16>
    %convert_element_type3A_5 = arith.extsi %bitcast_convert_type3A : vector<512x512xi16> to vector<512x512xi32>
    %and3A = arith.constant 65535 : i32
    %and3A_6 = vector.broadcast %and3A : i32 to vector<512x512xi32>
    %and3A_7 = arith.andi %convert_element_type3A_5, %and3A_6 : vector<512x512xi32>
    %slice3A_8 = vector.extract_strided_slice %convert_element_type3A_4 {offsets = [0, 512], sizes = [512, 512], strides = [1, 1]} : vector<512x1024xbf16> to vector<512x512xbf16>
    %bitcast_convert_type3A_9 = tpu.bitcast %slice3A_8 : vector<512x512xbf16> -> vector<512x512xi16>
    %convert_element_type3A_10 = arith.extsi %bitcast_convert_type3A_9 : vector<512x512xi16> to vector<512x512xi32>
    %shift_left3A = arith.constant 16 : i32
    %shift_left3A_11 = vector.broadcast %shift_left3A : i32 to vector<512x512xi32>
    %shift_left3A_12 = arith.shli %convert_element_type3A_10, %shift_left3A_11 : vector<512x512xi32>
    %or3A = arith.ori %shift_left3A_12, %and3A_7 : vector<512x512xi32>
    %swap3A = arith.constant 0 : index
    %swap3A_13 = arith.constant 0 : index
    %swap3A_14 = vector.load %arg5[%swap3A, %swap3A_13] : memref<512x512xi32, #tpu.memory_space<vmem>>, vector<512x512xi32>
    tpu.vector_store %arg5[%swap3A, %swap3A_13], %or3A {strides = array<i32>} : memref<512x512xi32, #tpu.memory_space<vmem>>, vector<512x512xi32>,
    %get3A_15 = arith.constant 0 : index
    %get3A_16 = arith.constant 0 : index
    %get3A_17 = vector.load %arg2[%get3A_15, %get3A_16] : memref<1024x128xf32, #tpu.memory_space<vmem>>, vector<1024x128xf32>
    %dot_general3A = arith.constant dense<0.000000e+00> : vector<512x128xf32>
    %dot_general3A_18 = tpu.matmul %get3A_3, %get3A_17, %dot_general3A {dimension_numbers = #tpu.dot_dimension_numbers<[1], [0], [0], [1], [0, 0, 1, 1], [], []>, transpose_lhs_hint = false} : vector<512x1024xf32>, vector<1024x128xf32>, vector<512x128xf32> -> vector<512x128xf32>
    %iota3A = tpu.iota {dimensions = array<i32: 1>} : vector<512x128xi32>
    %convert_element_type3A_19 = arith.sitofp %iota3A : vector<512x128xi32> to vector<512x128xf32>
    %lt3A = arith.constant 8.000000e+00 : f32
    %lt3A_20 = vector.broadcast %lt3A : f32 to vector<512x128xf32>
    %lt3A_21 = arith.cmpf olt, %convert_element_type3A_19, %lt3A_20 : vector<512x128xf32>
    %jit3A = arith.constant -1.000000e+30 : f32
    %broadcast_in_dim3A = vector.broadcast %jit3A : f32 to vector<512x128xf32>
    %select_n3A = arith.select %lt3A_21, %dot_general3A_18, %broadcast_in_dim3A : vector<512x128xi1>, vector<512x128xf32>
    %reduce_max3A = arith.constant dense<0xFF800000> : vector<512xf32>
    %reduce_max3A_22 = vector.multi_reduction <maximumf>, %select_n3A, %reduce_max3A [1] : vector<512x128xf32> to vector<512xf32>
    %broadcast_in_dim3A_23 = vector.shape_cast %reduce_max3A_22 : vector<512xf32> to vector<512x1xf32>
    %sub3A = vector.broadcast %broadcast_in_dim3A_23 : vector<512x1xf32> to vector<512x128xf32>
    %sub3A_24 = arith.subf %select_n3A, %sub3A : vector<512x128xf32>
    %exp3A = math.exp %sub3A_24 : vector<512x128xf32>
    %reduce_sum3A = arith.constant dense<0.000000e+00> : vector<512xf32>
    %reduce_sum3A_25 = vector.multi_reduction <add>, %exp3A, %reduce_sum3A [1] : vector<512x128xf32> to vector<512xf32>
    %broadcast_in_dim3A_26 = vector.shape_cast %reduce_sum3A_25 : vector<512xf32> to vector<512x1xf32>
    %div3A = vector.broadcast %broadcast_in_dim3A_26 : vector<512x1xf32> to vector<512x128xf32>
    %div3A_27 = arith.divf %exp3A, %div3A : vector<512x128xf32>
    %jit3A_28 = arith.constant -1.000000e+00 : f32
    %broadcast_in_dim3A_29 = vector.broadcast %jit3A_28 : f32 to vector<512x128xf32>
    %select_n3A_30 = arith.select %lt3A_21, %div3A_27, %broadcast_in_dim3A_29 : vector<512x128xi1>, vector<512x128xf32>
    %reduce_max3A_31 = arith.constant dense<0xFF800000> : vector<512xf32>
    %reduce_max3A_32 = vector.multi_reduction <maximumf>, %select_n3A_30, %reduce_max3A_31 [1] : vector<512x128xf32> to vector<512xf32>
    %broadcast_in_dim3A_33 = vector.shape_cast %reduce_max3A_32 : vector<512xf32> to vector<512x1xf32>
    %eq3A_34 = vector.broadcast %broadcast_in_dim3A_33 : vector<512x1xf32> to vector<512x128xf32>
    %eq3A_35 = arith.cmpf oeq, %div3A_27, %eq3A_34 : vector<512x128xf32>
    %and3A_36 = arith.andi %lt3A_21, %eq3A_35 : vector<512x128xi1>
    %jit3A_37 = arith.constant 1.270000e+02 : f32
    %broadcast_in_dim3A_38 = vector.broadcast %jit3A_37 : f32 to vector<512x128xf32>
    %select_n3A_39 = arith.select %and3A_36, %convert_element_type3A_19, %broadcast_in_dim3A_38 : vector<512x128xi1>, vector<512x128xf32>
    %reduce_min3A = arith.constant dense<0x7F800000> : vector<512xf32>
    %reduce_min3A_40 = vector.multi_reduction <minimumf>, %select_n3A_39, %reduce_min3A [1] : vector<512x128xf32> to vector<512xf32>
    %broadcast_in_dim3A_41 = vector.shape_cast %reduce_min3A_40 : vector<512xf32> to vector<512x1xf32>
    %eq3A_42 = vector.broadcast %broadcast_in_dim3A_41 : vector<512x1xf32> to vector<512x128xf32>
    %eq3A_43 = arith.cmpf oeq, %convert_element_type3A_19, %eq3A_42 : vector<512x128xf32>
    %not3A = arith.constant dense<true> : vector<512x128xi1>
    %not3A_44 = arith.xori %lt3A_21, %not3A : vector<512x128xi1>
    %or3A_45 = arith.ori %eq3A_43, %not3A_44 : vector<512x128xi1>
    %jit3A_46 = arith.constant -1.000000e+00 : f32
    %broadcast_in_dim3A_47 = vector.broadcast %jit3A_46 : f32 to vector<512x128xf32>
    %select_n3A_48 = arith.select %or3A_45, %broadcast_in_dim3A_47, %div3A_27 : vector<512x128xi1>, vector<512x128xf32>
    %reduce_max3A_49 = arith.constant dense<0xFF800000> : vector<512xf32>
    %reduce_max3A_50 = vector.multi_reduction <maximumf>, %select_n3A_48, %reduce_max3A_49 [1] : vector<512x128xf32> to vector<512xf32>
    %broadcast_in_dim3A_51 = vector.shape_cast %reduce_max3A_50 : vector<512xf32> to vector<512x1xf32>
    %eq3A_52 = vector.broadcast %broadcast_in_dim3A_51 : vector<512x1xf32> to vector<512x128xf32>
    %eq3A_53 = arith.cmpf oeq, %select_n3A_48, %eq3A_52 : vector<512x128xf32>
    %jit3A_54 = arith.constant 1.270000e+02 : f32
    %broadcast_in_dim3A_55 = vector.broadcast %jit3A_54 : f32 to vector<512x128xf32>
    %select_n3A_56 = arith.select %eq3A_53, %convert_element_type3A_19, %broadcast_in_dim3A_55 : vector<512x128xi1>, vector<512x128xf32>
    %reduce_min3A_57 = arith.constant dense<0x7F800000> : vector<512xf32>
    %reduce_min3A_58 = vector.multi_reduction <minimumf>, %select_n3A_56, %reduce_min3A_57 [1] : vector<512x128xf32> to vector<512xf32>
    %broadcast_in_dim3A_59 = vector.shape_cast %reduce_min3A_58 : vector<512xf32> to vector<512x1xf32>
    %eq3A_60 = vector.broadcast %broadcast_in_dim3A_59 : vector<512x1xf32> to vector<512x128xf32>
    %eq3A_61 = arith.cmpf oeq, %convert_element_type3A_19, %eq3A_60 : vector<512x128xf32>
    %or3A_62 = arith.ori %eq3A_43, %eq3A_61 : vector<512x128xi1>
    %convert_element_type3A_63 = arith.extui %or3A_62 : vector<512x128xi1> to vector<512x128xi32>
    %convert_element_type3A_64 = arith.sitofp %convert_element_type3A_63 : vector<512x128xi32> to vector<512x128xf32>
    %iota3A_65 = tpu.iota {dimensions = array<i32: 0>} : vector<512x512xi32>
    %iota3A_66 = tpu.iota {dimensions = array<i32: 1>} : vector<512x512xi32>
    %lt3A_67 = arith.cmpi slt, %iota3A_66, %iota3A_65 : vector<512x512xi32>
    %convert_element_type3A_68 = arith.extui %lt3A_67 : vector<512x512xi1> to vector<512x512xi32>
    %convert_element_type3A_69 = arith.sitofp %convert_element_type3A_68 : vector<512x512xi32> to vector<512x512xf32>
    %dot_general3A_70 = arith.constant dense<0.000000e+00> : vector<512x128xf32>
    %dot_general3A_71 = tpu.matmul %convert_element_type3A_69, %convert_element_type3A_64, %dot_general3A_70 {dimension_numbers = #tpu.dot_dimension_numbers<[1], [0], [0], [1], [0, 0, 1, 1], [], []>, transpose_lhs_hint = false} : vector<512x512xf32>, vector<512x128xf32>, vector<512x128xf32> -> vector<512x128xf32>
    %get3A_72 = arith.constant 0 : index
    %get3A_73 = arith.constant 0 : index
    %get3A_74 = vector.load %arg6[%get3A_72, %get3A_73] : memref<1x128xf32, #tpu.memory_space<vmem>>, vector<1x128xf32>
    %add3A = vector.broadcast %get3A_74 : vector<1x128xf32> to vector<512x128xf32>
    %add3A_75 = arith.addf %dot_general3A_71, %add3A : vector<512x128xf32>
    %jit3A_76 = arith.constant 0.000000e+00 : f32
    %broadcast_in_dim3A_77 = vector.broadcast %jit3A_76 : f32 to vector<512x128xf32>
    %select_n3A_78 = arith.select %eq3A_43, %add3A_75, %broadcast_in_dim3A_77 : vector<512x128xi1>, vector<512x128xf32>
    %reduce_sum3A_79 = arith.constant dense<0.000000e+00> : vector<512xf32>
    %reduce_sum3A_80 = vector.multi_reduction <add>, %select_n3A_78, %reduce_sum3A_79 [1] : vector<512x128xf32> to vector<512xf32>
    %broadcast_in_dim3A_81 = vector.shape_cast %reduce_sum3A_80 : vector<512xf32> to vector<512x1xf32>
    %jit3A_82 = arith.constant 0.000000e+00 : f32
    %broadcast_in_dim3A_83 = vector.broadcast %jit3A_82 : f32 to vector<512x128xf32>
    %select_n3A_84 = arith.select %eq3A_61, %add3A_75, %broadcast_in_dim3A_83 : vector<512x128xi1>, vector<512x128xf32>
    %reduce_sum3A_85 = arith.constant dense<0.000000e+00> : vector<512xf32>
    %reduce_sum3A_86 = vector.multi_reduction <add>, %select_n3A_84, %reduce_sum3A_85 [1] : vector<512x128xf32> to vector<512xf32>
    %broadcast_in_dim3A_87 = vector.shape_cast %reduce_sum3A_86 : vector<512xf32> to vector<512x1xf32>
    %get3A_88 = arith.constant 0 : index
    %get3A_89 = arith.constant 0 : index
    %get3A_90 = vector.load %arg6[%get3A_88, %get3A_89] : memref<1x128xf32, #tpu.memory_space<vmem>>, vector<1x128xf32>
    %reduce_sum3A_91 = arith.constant dense<0.000000e+00> : vector<128xf32>
    %reduce_sum3A_92 = vector.multi_reduction <add>, %convert_element_type3A_64, %reduce_sum3A_91 [0] : vector<512x128xf32> to vector<128xf32>
    %broadcast_in_dim3A_93 = vector.shape_cast %reduce_sum3A_92 : vector<128xf32> to vector<1x128xf32>
    %add3A_94 = arith.addf %get3A_90, %broadcast_in_dim3A_93 : vector<1x128xf32>
    %swap3A_95 = arith.constant 0 : index
    %swap3A_96 = arith.constant 0 : index
    %swap3A_97 = vector.load %arg6[%swap3A_95, %swap3A_96] : memref<1x128xf32, #tpu.memory_space<vmem>>, vector<1x128xf32>
    tpu.vector_store %arg6[%swap3A_95, %swap3A_96], %add3A_94 {strides = array<i32>} : memref<1x128xf32, #tpu.memory_space<vmem>>, vector<1x128xf32>,
    %iota3A_98 = tpu.iota {dimensions = array<i32: 1>} : vector<512x128xi32>
    %eq3A_99 = arith.constant 0 : i32
    %eq3A_100 = vector.broadcast %eq3A_99 : i32 to vector<512x128xi32>
    %eq3A_101 = arith.cmpi eq, %iota3A_98, %eq3A_100 : vector<512x128xi32>
    %jit3A_102 = arith.constant 0.000000e+00 : f32
    %broadcast_in_dim3A_103 = vector.shape_cast %broadcast_in_dim3A_41 : vector<512x1xf32> to vector<512x1xf32>
    %broadcast_in_dim3A_104 = vector.broadcast %broadcast_in_dim3A_103 : vector<512x1xf32> to vector<512x128xf32>
    %broadcast_in_dim3A_105 = vector.broadcast %jit3A_102 : f32 to vector<512x128xf32>
    %select_n3A_106 = arith.select %eq3A_101, %broadcast_in_dim3A_104, %broadcast_in_dim3A_105 : vector<512x128xi1>, vector<512x128xf32>
    %eq3A_107 = arith.constant 1 : i32
    %eq3A_108 = vector.broadcast %eq3A_107 : i32 to vector<512x128xi32>
    %eq3A_109 = arith.cmpi eq, %iota3A_98, %eq3A_108 : vector<512x128xi32>
    %broadcast_in_dim3A_110 = vector.shape_cast %broadcast_in_dim3A_59 : vector<512x1xf32> to vector<512x1xf32>
    %broadcast_in_dim3A_111 = vector.broadcast %broadcast_in_dim3A_110 : vector<512x1xf32> to vector<512x128xf32>
    %select_n3A_112 = arith.select %eq3A_109, %broadcast_in_dim3A_111, %select_n3A_106 : vector<512x128xi1>, vector<512x128xf32>
    %eq3A_113 = arith.constant 2 : i32
    %eq3A_114 = vector.broadcast %eq3A_113 : i32 to vector<512x128xi32>
    %eq3A_115 = arith.cmpi eq, %iota3A_98, %eq3A_114 : vector<512x128xi32>
    %broadcast_in_dim3A_116 = vector.shape_cast %broadcast_in_dim3A_33 : vector<512x1xf32> to vector<512x1xf32>
    %broadcast_in_dim3A_117 = vector.broadcast %broadcast_in_dim3A_116 : vector<512x1xf32> to vector<512x128xf32>
    %select_n3A_118 = arith.select %eq3A_115, %broadcast_in_dim3A_117, %select_n3A_112 : vector<512x128xi1>, vector<512x128xf32>
    %eq3A_119 = arith.constant 3 : i32
    %eq3A_120 = vector.broadcast %eq3A_119 : i32 to vector<512x128xi32>
    %eq3A_121 = arith.cmpi eq, %iota3A_98, %eq3A_120 : vector<512x128xi32>
    %broadcast_in_dim3A_122 = vector.shape_cast %broadcast_in_dim3A_51 : vector<512x1xf32> to vector<512x1xf32>
    %broadcast_in_dim3A_123 = vector.broadcast %broadcast_in_dim3A_122 : vector<512x1xf32> to vector<512x128xf32>
    %select_n3A_124 = arith.select %eq3A_121, %broadcast_in_dim3A_123, %select_n3A_118 : vector<512x128xi1>, vector<512x128xf32>
    %eq3A_125 = arith.constant 4 : i32
    %eq3A_126 = vector.broadcast %eq3A_125 : i32 to vector<512x128xi32>
    %eq3A_127 = arith.cmpi eq, %iota3A_98, %eq3A_126 : vector<512x128xi32>
    %broadcast_in_dim3A_128 = vector.shape_cast %broadcast_in_dim3A_81 : vector<512x1xf32> to vector<512x1xf32>
    %broadcast_in_dim3A_129 = vector.broadcast %broadcast_in_dim3A_128 : vector<512x1xf32> to vector<512x128xf32>
    %select_n3A_130 = arith.select %eq3A_127, %broadcast_in_dim3A_129, %select_n3A_124 : vector<512x128xi1>, vector<512x128xf32>
    %eq3A_131 = arith.constant 5 : i32
    %eq3A_132 = vector.broadcast %eq3A_131 : i32 to vector<512x128xi32>
    %eq3A_133 = arith.cmpi eq, %iota3A_98, %eq3A_132 : vector<512x128xi32>
    %broadcast_in_dim3A_134 = vector.shape_cast %broadcast_in_dim3A_87 : vector<512x1xf32> to vector<512x1xf32>
    %broadcast_in_dim3A_135 = vector.broadcast %broadcast_in_dim3A_134 : vector<512x1xf32> to vector<512x128xf32>
    %select_n3A_136 = arith.select %eq3A_133, %broadcast_in_dim3A_135, %select_n3A_130 : vector<512x128xi1>, vector<512x128xf32>
    %swap3A_137 = arith.constant 0 : index
    %swap3A_138 = arith.constant 0 : index
    %swap3A_139 = vector.load %arg3[%swap3A_137, %swap3A_138] : memref<512x128xf32, #tpu.memory_space<vmem>>, vector<512x128xf32>
    tpu.vector_store %arg3[%swap3A_137, %swap3A_138], %select_n3A_136 {strides = array<i32>} : memref<512x128xf32, #tpu.memory_space<vmem>>, vector<512x128xf32>,
    %get3A_140 = arith.constant 0 : index
    %get3A_141 = arith.constant 0 : index
    %get3A_142 = vector.load %arg6[%get3A_140, %get3A_141] : memref<1x128xf32, #tpu.memory_space<vmem>>, vector<1x128xf32>
    %broadcast_in_dim3A_143 = vector.shape_cast %get3A_142 : vector<1x128xf32> to vector<1x128xf32>
    %broadcast_in_dim3A_144 = vector.broadcast %broadcast_in_dim3A_143 : vector<1x128xf32> to vector<8x128xf32>
    %swap3A_145 = arith.constant 0 : index
    %swap3A_146 = arith.constant 0 : index
    %swap3A_147 = vector.load %arg4[%swap3A_145, %swap3A_146] : memref<8x128xf32, #tpu.memory_space<vmem>>, vector<8x128xf32>
    tpu.vector_store %arg4[%swap3A_145, %swap3A_146], %broadcast_in_dim3A_144 {strides = array<i32>} : memref<8x128xf32, #tpu.memory_space<vmem>>, vector<8x128xf32>,
    return
  }
  func.func @transform_0(%arg0: i32) -> (i32, i32) {
    %c0_i32 = arith.constant 0 : i32
    %c0_i32_0 = arith.constant 0 : i32
    return %arg0, %c0_i32 : i32, i32
  }
  func.func @transform_1(%arg0: i32) -> (i32, i32) {
    %c0_i32 = arith.constant 0 : i32
    %c0_i32_0 = arith.constant 0 : i32
    %c0_i32_1 = arith.constant 0 : i32
    return %c0_i32, %c0_i32_0 : i32, i32
  }
  func.func @transform_2(%arg0: i32) -> (i32, i32) {
    %c0_i32 = arith.constant 0 : i32
    %c0_i32_0 = arith.constant 0 : i32
    return %arg0, %c0_i32 : i32, i32
  }
  func.func @transform_3(%arg0: i32) -> (i32, i32) {
    %c0_i32 = arith.constant 0 : i32
    %c0_i32_0 = arith.constant 0 : i32
    %c0_i32_1 = arith.constant 0 : i32
    return %c0_i32, %c0_i32_0 : i32, i32
  }
  func.func @transform_4(%arg0: i32) -> (i32, i32) {
    %c0_i32 = arith.constant 0 : i32
    %c0_i32_0 = arith.constant 0 : i32
    return %arg0, %c0_i32 : i32, i32
  }
}

module attributes {stable_mosaic.version = 14 : i64} {
  func.func @_finalize_body(%arg0: memref<8x128xf32, #tpu.memory_space<vmem>>, %arg1: memref<2048x128xf32, #tpu.memory_space<vmem>>, %arg2: memref<2048x128xf32, #tpu.memory_space<vmem>>, %arg3: memref<2048x128xf32, #tpu.memory_space<vmem>>, %arg4: memref<128x128xf32, #tpu.memory_space<vmem>>) attributes {dimension_semantics = [], scalar_prefetch = 0 : i64, scratch_operands = 0 : i64, tpu.core_type = #tpu.core_type<tc>} {
    %get3A = arith.constant 0 : index
    %get3A_0 = arith.constant 0 : index
    %get3A_1 = vector.load %arg0[%get3A, %get3A_0] : memref<8x128xf32, #tpu.memory_space<vmem>>, vector<1x128xf32>
    %div3A = arith.constant 5.120000e+02 : f32
    %div3A_2 = vector.broadcast %div3A : f32 to vector<1x128xf32>
    %div3A_3 = arith.divf %get3A_1, %div3A_2 : vector<1x128xf32>
    %ceil3A = math.ceil %div3A_3 : vector<1x128xf32>
    %mul3A = arith.constant 5.120000e+02 : f32
    %mul3A_4 = vector.broadcast %mul3A : f32 to vector<1x128xf32>
    %mul3A_5 = arith.mulf %ceil3A, %mul3A_4 : vector<1x128xf32>
    %iota3A = tpu.iota {dimensions = array<i32: 0>} : vector<128x128xi32>
    %iota3A_6 = tpu.iota {dimensions = array<i32: 1>} : vector<128x128xi32>
    %lt3A = arith.cmpi slt, %iota3A, %iota3A_6 : vector<128x128xi32>
    %convert_element_type3A = arith.extui %lt3A : vector<128x128xi1> to vector<128x128xi32>
    %convert_element_type3A_7 = arith.sitofp %convert_element_type3A : vector<128x128xi32> to vector<128x128xf32>
    %dot_general3A = arith.constant dense<0.000000e+00> : vector<1x128xf32>
    %dot_general3A_8 = tpu.matmul %mul3A_5, %convert_element_type3A_7, %dot_general3A {dimension_numbers = #tpu.dot_dimension_numbers<[1], [0], [0], [1], [0, 0, 1, 1], [], []>, transpose_lhs_hint = false} : vector<1x128xf32>, vector<128x128xf32>, vector<1x128xf32> -> vector<1x128xf32>
    %add3A = arith.addf %dot_general3A_8, %mul3A_5 : vector<1x128xf32>
    %div3A_9 = arith.constant 5.120000e+02 : f32
    %div3A_10 = vector.broadcast %div3A_9 : f32 to vector<1x128xf32>
    %div3A_11 = arith.divf %add3A, %div3A_10 : vector<1x128xf32>
    %lt3A_12 = arith.constant 8 : i32
    %lt3A_13 = vector.broadcast %lt3A_12 : i32 to vector<128x128xi32>
    %lt3A_14 = arith.cmpi slt, %iota3A_6, %lt3A_13 : vector<128x128xi32>
    %broadcast_in_dim3A = vector.shape_cast %div3A_11 : vector<1x128xf32> to vector<1x128xf32>
    %broadcast_in_dim3A_15 = vector.broadcast %broadcast_in_dim3A : vector<1x128xf32> to vector<128x128xf32>
    %convert_element_type3A_16 = arith.sitofp %iota3A : vector<128x128xi32> to vector<128x128xf32>
    %le3A = arith.cmpf ole, %broadcast_in_dim3A_15, %convert_element_type3A_16 : vector<128x128xf32>
    %and3A = arith.andi %lt3A_14, %le3A : vector<128x128xi1>
    %jit3A = arith.constant 1.000000e+00 : f32
    %jit3A_17 = arith.constant 0.000000e+00 : f32
    %broadcast_in_dim3A_18 = vector.broadcast %jit3A : f32 to vector<128x128xf32>
    %broadcast_in_dim3A_19 = vector.broadcast %jit3A_17 : f32 to vector<128x128xf32>
    %select_n3A = arith.select %and3A, %broadcast_in_dim3A_18, %broadcast_in_dim3A_19 : vector<128x128xi1>, vector<128x128xf32>
    %reduce_sum3A = arith.constant dense<0.000000e+00> : vector<128xf32>
    %reduce_sum3A_20 = vector.multi_reduction <add>, %select_n3A, %reduce_sum3A [1] : vector<128x128xf32> to vector<128xf32>
    %broadcast_in_dim3A_21 = vector.shape_cast %reduce_sum3A_20 : vector<128xf32> to vector<128x1xf32>
    %min3A = arith.constant 7.000000e+00 : f32
    %min3A_22 = vector.broadcast %min3A : f32 to vector<128x1xf32>
    %min3A_23 = arith.minimumf %broadcast_in_dim3A_21, %min3A_22 : vector<128x1xf32>
    %broadcast_in_dim3A_24 = vector.shape_cast %min3A_23 : vector<128x1xf32> to vector<128x1xf32>
    %broadcast_in_dim3A_25 = vector.broadcast %broadcast_in_dim3A_24 : vector<128x1xf32> to vector<128x128xf32>
    %swap3A = arith.constant 0 : index
    %swap3A_26 = arith.constant 0 : index
    %swap3A_27 = vector.load %arg4[%swap3A, %swap3A_26] : memref<128x128xf32, #tpu.memory_space<vmem>>, vector<128x128xf32>
    tpu.vector_store %arg4[%swap3A, %swap3A_26], %broadcast_in_dim3A_25 {strides = array<i32>} : memref<128x128xf32, #tpu.memory_space<vmem>>, vector<128x128xf32>,
    %iota3A_28 = tpu.iota {dimensions = array<i32: 1>} : vector<2048x128xi32>
    %convert_element_type3A_29 = arith.sitofp %iota3A_28 : vector<2048x128xi32> to vector<2048x128xf32>
    %broadcast_in_dim3A_30 = vector.shape_cast %dot_general3A_8 : vector<1x128xf32> to vector<1x128xf32>
    %broadcast_in_dim3A_31 = vector.broadcast %broadcast_in_dim3A_30 : vector<1x128xf32> to vector<2048x128xf32>
    %get3A_32 = arith.constant 0 : index
    %get3A_33 = arith.constant 0 : index
    %get3A_34 = vector.load %arg1[%get3A_32, %get3A_33] : memref<2048x128xf32, #tpu.memory_space<vmem>>, vector<2048x1xf32>
    %get3A_35 = arith.constant 0 : index
    %get3A_36 = arith.constant 1 : index
    %get3A_37 = vector.load %arg1[%get3A_35, %get3A_36] : memref<2048x128xf32, #tpu.memory_space<vmem>>, vector<2048x1xf32>
    %get3A_38 = arith.constant 0 : index
    %get3A_39 = arith.constant 4 : index
    %get3A_40 = vector.load %arg1[%get3A_38, %get3A_39] : memref<2048x128xf32, #tpu.memory_space<vmem>>, vector<2048x1xf32>
    %get3A_41 = arith.constant 0 : index
    %get3A_42 = arith.constant 5 : index
    %get3A_43 = vector.load %arg1[%get3A_41, %get3A_42] : memref<2048x128xf32, #tpu.memory_space<vmem>>, vector<2048x1xf32>
    %eq3A = vector.broadcast %get3A_34 : vector<2048x1xf32> to vector<2048x128xf32>
    %eq3A_44 = arith.cmpf oeq, %convert_element_type3A_29, %eq3A : vector<2048x128xf32>
    %jit3A_45 = arith.constant 0.000000e+00 : f32
    %broadcast_in_dim3A_46 = vector.broadcast %jit3A_45 : f32 to vector<2048x128xf32>
    %select_n3A_47 = arith.select %eq3A_44, %broadcast_in_dim3A_31, %broadcast_in_dim3A_46 : vector<2048x128xi1>, vector<2048x128xf32>
    %reduce_sum3A_48 = arith.constant dense<0.000000e+00> : vector<2048xf32>
    %reduce_sum3A_49 = vector.multi_reduction <add>, %select_n3A_47, %reduce_sum3A_48 [1] : vector<2048x128xf32> to vector<2048xf32>
    %broadcast_in_dim3A_50 = vector.shape_cast %reduce_sum3A_49 : vector<2048xf32> to vector<2048x1xf32>
    %eq3A_51 = vector.broadcast %get3A_37 : vector<2048x1xf32> to vector<2048x128xf32>
    %eq3A_52 = arith.cmpf oeq, %convert_element_type3A_29, %eq3A_51 : vector<2048x128xf32>
    %jit3A_53 = arith.constant 0.000000e+00 : f32
    %broadcast_in_dim3A_54 = vector.broadcast %jit3A_53 : f32 to vector<2048x128xf32>
    %select_n3A_55 = arith.select %eq3A_52, %broadcast_in_dim3A_31, %broadcast_in_dim3A_54 : vector<2048x128xi1>, vector<2048x128xf32>
    %reduce_sum3A_56 = arith.constant dense<0.000000e+00> : vector<2048xf32>
    %reduce_sum3A_57 = vector.multi_reduction <add>, %select_n3A_55, %reduce_sum3A_56 [1] : vector<2048x128xf32> to vector<2048xf32>
    %broadcast_in_dim3A_58 = vector.shape_cast %reduce_sum3A_57 : vector<2048xf32> to vector<2048x1xf32>
    %add3A_59 = arith.addf %broadcast_in_dim3A_50, %get3A_40 : vector<2048x1xf32>
    %broadcast_in_dim3A_60 = vector.shape_cast %add3A_59 : vector<2048x1xf32> to vector<2048x1xf32>
    %broadcast_in_dim3A_61 = vector.broadcast %broadcast_in_dim3A_60 : vector<2048x1xf32> to vector<2048x128xf32>
    %swap3A_62 = arith.constant 0 : index
    %swap3A_63 = arith.constant 0 : index
    %swap3A_64 = vector.load %arg2[%swap3A_62, %swap3A_63] : memref<2048x128xf32, #tpu.memory_space<vmem>>, vector<2048x128xf32>
    tpu.vector_store %arg2[%swap3A_62, %swap3A_63], %broadcast_in_dim3A_61 {strides = array<i32>} : memref<2048x128xf32, #tpu.memory_space<vmem>>, vector<2048x128xf32>,
    %add3A_65 = arith.addf %broadcast_in_dim3A_58, %get3A_43 : vector<2048x1xf32>
    %broadcast_in_dim3A_66 = vector.shape_cast %add3A_65 : vector<2048x1xf32> to vector<2048x1xf32>
    %broadcast_in_dim3A_67 = vector.broadcast %broadcast_in_dim3A_66 : vector<2048x1xf32> to vector<2048x128xf32>
    %swap3A_68 = arith.constant 0 : index
    %swap3A_69 = arith.constant 0 : index
    %swap3A_70 = vector.load %arg3[%swap3A_68, %swap3A_69] : memref<2048x128xf32, #tpu.memory_space<vmem>>, vector<2048x128xf32>
    tpu.vector_store %arg3[%swap3A_68, %swap3A_69], %broadcast_in_dim3A_67 {strides = array<i32>} : memref<2048x128xf32, #tpu.memory_space<vmem>>, vector<2048x128xf32>,
    return
  }
}

module attributes {stable_mosaic.version = 14 : i64} {
  func.func @_grouped_ffn_body(%arg0: i32, %arg1: memref<16xi32, #tpu.memory_space<smem>>, %arg2: memref<512x512xi32, #tpu.memory_space<vmem>>, %arg3: memref<8x1024x256xbf16, #tpu.memory_space<vmem>>, %arg4: memref<8x1024x256xbf16, #tpu.memory_space<vmem>>, %arg5: memref<8x256x1024xbf16, #tpu.memory_space<vmem>>, %arg6: memref<512x512xi32, #tpu.memory_space<vmem>>) attributes {dimension_semantics = [#tpu.dimension_semantics<arbitrary>], iteration_bounds = array<i64: 16>, scalar_prefetch = 1 : i64, scratch_operands = 0 : i64, tpu.core_type = #tpu.core_type<tc>, window_params = [{transform_indices = @transform_0, window_bounds = array<i64: 512, 512>}, {pipeline_mode = #tpu.pipeline_mode<synchronous>, transform_indices = @transform_1, window_bounds = array<i64: 8, 1024, 256>}, {pipeline_mode = #tpu.pipeline_mode<synchronous>, transform_indices = @transform_2, window_bounds = array<i64: 8, 1024, 256>}, {pipeline_mode = #tpu.pipeline_mode<synchronous>, transform_indices = @transform_3, window_bounds = array<i64: 8, 256, 1024>}, {transform_indices = @transform_4, window_bounds = array<i64: 512, 512>}]} {
    %get3A = arith.index_cast %arg0 : i32 to index
    %get3A_0 = memref.load %arg1[%get3A] : memref<16xi32, #tpu.memory_space<smem>>
    %get3A_1 = arith.constant 0 : index
    %get3A_2 = arith.constant 0 : index
    %get3A_3 = vector.load %arg2[%get3A_1, %get3A_2] : memref<512x512xi32, #tpu.memory_space<vmem>>, vector<512x512xi32>
    %convert_element_type3A = arith.trunci %get3A_3 : vector<512x512xi32> to vector<512x512xi16>
    %bitcast_convert_type3A = tpu.bitcast %convert_element_type3A : vector<512x512xi16> -> vector<512x512xbf16>
    %shift_right_logical3A = arith.constant 16 : i32
    %shift_right_logical3A_4 = vector.broadcast %shift_right_logical3A : i32 to vector<512x512xi32>
    %shift_right_logical3A_5 = arith.shrui %get3A_3, %shift_right_logical3A_4 : vector<512x512xi32>
    %convert_element_type3A_6 = arith.trunci %shift_right_logical3A_5 : vector<512x512xi32> to vector<512x512xi16>
    %bitcast_convert_type3A_7 = tpu.bitcast %convert_element_type3A_6 : vector<512x512xi16> -> vector<512x512xbf16>
    %concatenate3A = tpu.concatenate %bitcast_convert_type3A, %bitcast_convert_type3A_7 in 1 : vector<512x512xbf16>, vector<512x512xbf16> -> vector<512x1024xbf16>
    %get3A_8 = arith.index_cast %get3A_0 : i32 to index
    %get3A_9 = arith.constant 0 : index
    %get3A_10 = arith.constant 0 : index
    %get3A_11 = vector.load %arg3[%get3A_8, %get3A_9, %get3A_10] : memref<8x1024x256xbf16, #tpu.memory_space<vmem>>, vector<1x1024x256xbf16>
    %get3A_12 = vector.shape_cast %get3A_11 : vector<1x1024x256xbf16> to vector<1024x256xbf16>
    %dot_general3A = arith.constant dense<0.000000e+00> : vector<512x256xf32>
    %dot_general3A_13 = tpu.matmul %concatenate3A, %get3A_12, %dot_general3A {dimension_numbers = #tpu.dot_dimension_numbers<[1], [0], [0], [1], [0, 0, 1, 1], [], []>, transpose_lhs_hint = false} : vector<512x1024xbf16>, vector<1024x256xbf16>, vector<512x256xf32> -> vector<512x256xf32>
    %get3A_14 = arith.index_cast %get3A_0 : i32 to index
    %get3A_15 = arith.constant 0 : index
    %get3A_16 = arith.constant 0 : index
    %get3A_17 = vector.load %arg4[%get3A_14, %get3A_15, %get3A_16] : memref<8x1024x256xbf16, #tpu.memory_space<vmem>>, vector<1x1024x256xbf16>
    %get3A_18 = vector.shape_cast %get3A_17 : vector<1x1024x256xbf16> to vector<1024x256xbf16>
    %dot_general3A_19 = arith.constant dense<0.000000e+00> : vector<512x256xf32>
    %dot_general3A_20 = tpu.matmul %concatenate3A, %get3A_18, %dot_general3A_19 {dimension_numbers = #tpu.dot_dimension_numbers<[1], [0], [0], [1], [0, 0, 1, 1], [], []>, transpose_lhs_hint = false} : vector<512x1024xbf16>, vector<1024x256xbf16>, vector<512x256xf32> -> vector<512x256xf32>
    %logistic3A = arith.negf %dot_general3A_13 : vector<512x256xf32>
    %logistic3A_21 = math.exp %logistic3A : vector<512x256xf32>
    %logistic3A_22 = arith.constant 1.000000e+00 : f32
    %logistic3A_23 = vector.broadcast %logistic3A_22 : f32 to vector<512x256xf32>
    %logistic3A_24 = arith.addf %logistic3A_23, %logistic3A_21 : vector<512x256xf32>
    %logistic3A_25 = arith.divf %logistic3A_23, %logistic3A_24 : vector<512x256xf32>
    %mul3A = arith.mulf %dot_general3A_13, %logistic3A_25 : vector<512x256xf32>
    %mul3A_26 = arith.mulf %mul3A, %dot_general3A_20 : vector<512x256xf32>
    %convert_element_type3A_27 = arith.truncf %mul3A_26 : vector<512x256xf32> to vector<512x256xbf16>
    %get3A_28 = arith.index_cast %get3A_0 : i32 to index
    %get3A_29 = arith.constant 0 : index
    %get3A_30 = arith.constant 0 : index
    %get3A_31 = vector.load %arg5[%get3A_28, %get3A_29, %get3A_30] : memref<8x256x1024xbf16, #tpu.memory_space<vmem>>, vector<1x256x1024xbf16>
    %get3A_32 = vector.shape_cast %get3A_31 : vector<1x256x1024xbf16> to vector<256x1024xbf16>
    %dot_general3A_33 = arith.constant dense<0.000000e+00> : vector<512x1024xf32>
    %dot_general3A_34 = tpu.matmul %convert_element_type3A_27, %get3A_32, %dot_general3A_33 {dimension_numbers = #tpu.dot_dimension_numbers<[1], [0], [0], [1], [0, 0, 1, 1], [], []>, transpose_lhs_hint = false} : vector<512x256xbf16>, vector<256x1024xbf16>, vector<512x1024xf32> -> vector<512x1024xf32>
    %convert_element_type3A_35 = arith.truncf %dot_general3A_34 : vector<512x1024xf32> to vector<512x1024xbf16>
    %slice3A = vector.extract_strided_slice %convert_element_type3A_35 {offsets = [0, 0], sizes = [512, 512], strides = [1, 1]} : vector<512x1024xbf16> to vector<512x512xbf16>
    %bitcast_convert_type3A_36 = tpu.bitcast %slice3A : vector<512x512xbf16> -> vector<512x512xi16>
    %convert_element_type3A_37 = arith.extsi %bitcast_convert_type3A_36 : vector<512x512xi16> to vector<512x512xi32>
    %and3A = arith.constant 65535 : i32
    %and3A_38 = vector.broadcast %and3A : i32 to vector<512x512xi32>
    %and3A_39 = arith.andi %convert_element_type3A_37, %and3A_38 : vector<512x512xi32>
    %slice3A_40 = vector.extract_strided_slice %convert_element_type3A_35 {offsets = [0, 512], sizes = [512, 512], strides = [1, 1]} : vector<512x1024xbf16> to vector<512x512xbf16>
    %bitcast_convert_type3A_41 = tpu.bitcast %slice3A_40 : vector<512x512xbf16> -> vector<512x512xi16>
    %convert_element_type3A_42 = arith.extsi %bitcast_convert_type3A_41 : vector<512x512xi16> to vector<512x512xi32>
    %shift_left3A = arith.constant 16 : i32
    %shift_left3A_43 = vector.broadcast %shift_left3A : i32 to vector<512x512xi32>
    %shift_left3A_44 = arith.shli %convert_element_type3A_42, %shift_left3A_43 : vector<512x512xi32>
    %or3A = arith.ori %shift_left3A_44, %and3A_39 : vector<512x512xi32>
    %swap3A = arith.constant 0 : index
    %swap3A_45 = arith.constant 0 : index
    %swap3A_46 = vector.load %arg6[%swap3A, %swap3A_45] : memref<512x512xi32, #tpu.memory_space<vmem>>, vector<512x512xi32>
    tpu.vector_store %arg6[%swap3A, %swap3A_45], %or3A {strides = array<i32>} : memref<512x512xi32, #tpu.memory_space<vmem>>, vector<512x512xi32>,
    return
  }
  func.func @transform_0(%arg0: i32, %arg1: memref<16xi32, #tpu.memory_space<smem>>) -> (i32, i32) {
    %c0_i32 = arith.constant 0 : i32
    %c0_i32_0 = arith.constant 0 : i32
    return %arg0, %c0_i32 : i32, i32
  }
  func.func @transform_1(%arg0: i32, %arg1: memref<16xi32, #tpu.memory_space<smem>>) -> (i32, i32, i32) {
    %c0_i32 = arith.constant 0 : i32
    %c0_i32_0 = arith.constant 0 : i32
    %c0_i32_1 = arith.constant 0 : i32
    %c0_i32_2 = arith.constant 0 : i32
    return %c0_i32, %c0_i32_0, %c0_i32_1 : i32, i32, i32
  }
  func.func @transform_2(%arg0: i32, %arg1: memref<16xi32, #tpu.memory_space<smem>>) -> (i32, i32, i32) {
    %c0_i32 = arith.constant 0 : i32
    %c0_i32_0 = arith.constant 0 : i32
    %c0_i32_1 = arith.constant 0 : i32
    %c0_i32_2 = arith.constant 0 : i32
    return %c0_i32, %c0_i32_0, %c0_i32_1 : i32, i32, i32
  }
  func.func @transform_3(%arg0: i32, %arg1: memref<16xi32, #tpu.memory_space<smem>>) -> (i32, i32, i32) {
    %c0_i32 = arith.constant 0 : i32
    %c0_i32_0 = arith.constant 0 : i32
    %c0_i32_1 = arith.constant 0 : i32
    %c0_i32_2 = arith.constant 0 : i32
    return %c0_i32, %c0_i32_0, %c0_i32_1 : i32, i32, i32
  }
  func.func @transform_4(%arg0: i32, %arg1: memref<16xi32, #tpu.memory_space<smem>>) -> (i32, i32) {
    %c0_i32 = arith.constant 0 : i32
    %c0_i32_0 = arith.constant 0 : i32
    return %arg0, %c0_i32 : i32, i32
  }
}

module attributes {stable_mosaic.version = 14 : i64} {
  func.func @_shared_combine_body(%arg0: i32, %arg1: memref<512x512xi32, #tpu.memory_space<vmem>>, %arg2: memref<1024x512xbf16, #tpu.memory_space<vmem>>, %arg3: memref<1024x512xbf16, #tpu.memory_space<vmem>>, %arg4: memref<512x1024xbf16, #tpu.memory_space<vmem>>, %arg5: memref<512x512xi32, #tpu.memory_space<vmem>>, %arg6: memref<512x512xi32, #tpu.memory_space<vmem>>, %arg7: memref<512x128xf32, #tpu.memory_space<vmem>>, %arg8: memref<512x1024xf32, #tpu.memory_space<vmem>>) attributes {dimension_semantics = [#tpu.dimension_semantics<arbitrary>], iteration_bounds = array<i64: 4>, scalar_prefetch = 0 : i64, scratch_operands = 0 : i64, tpu.core_type = #tpu.core_type<tc>, window_params = [{transform_indices = @transform_0, window_bounds = array<i64: 512, 512>}, {pipeline_mode = #tpu.pipeline_mode<synchronous>, transform_indices = @transform_1, window_bounds = array<i64: 1024, 512>}, {pipeline_mode = #tpu.pipeline_mode<synchronous>, transform_indices = @transform_2, window_bounds = array<i64: 1024, 512>}, {pipeline_mode = #tpu.pipeline_mode<synchronous>, transform_indices = @transform_3, window_bounds = array<i64: 512, 1024>}, {transform_indices = @transform_4, window_bounds = array<i64: 512, 512>}, {transform_indices = @transform_5, window_bounds = array<i64: 512, 512>}, {transform_indices = @transform_6, window_bounds = array<i64: 512, 128>}, {transform_indices = @transform_7, window_bounds = array<i64: 512, 1024>}]} {
    %get3A = arith.constant 0 : index
    %get3A_0 = arith.constant 0 : index
    %get3A_1 = vector.load %arg1[%get3A, %get3A_0] : memref<512x512xi32, #tpu.memory_space<vmem>>, vector<512x512xi32>
    %convert_element_type3A = arith.trunci %get3A_1 : vector<512x512xi32> to vector<512x512xi16>
    %bitcast_convert_type3A = tpu.bitcast %convert_element_type3A : vector<512x512xi16> -> vector<512x512xbf16>
    %shift_right_logical3A = arith.constant 16 : i32
    %shift_right_logical3A_2 = vector.broadcast %shift_right_logical3A : i32 to vector<512x512xi32>
    %shift_right_logical3A_3 = arith.shrui %get3A_1, %shift_right_logical3A_2 : vector<512x512xi32>
    %convert_element_type3A_4 = arith.trunci %shift_right_logical3A_3 : vector<512x512xi32> to vector<512x512xi16>
    %bitcast_convert_type3A_5 = tpu.bitcast %convert_element_type3A_4 : vector<512x512xi16> -> vector<512x512xbf16>
    %concatenate3A = tpu.concatenate %bitcast_convert_type3A, %bitcast_convert_type3A_5 in 1 : vector<512x512xbf16>, vector<512x512xbf16> -> vector<512x1024xbf16>
    %get3A_6 = arith.constant 0 : index
    %get3A_7 = arith.constant 0 : index
    %get3A_8 = vector.load %arg2[%get3A_6, %get3A_7] : memref<1024x512xbf16, #tpu.memory_space<vmem>>, vector<1024x512xbf16>
    %dot_general3A = arith.constant dense<0.000000e+00> : vector<512x512xf32>
    %dot_general3A_9 = tpu.matmul %concatenate3A, %get3A_8, %dot_general3A {dimension_numbers = #tpu.dot_dimension_numbers<[1], [0], [0], [1], [0, 0, 1, 1], [], []>, transpose_lhs_hint = false} : vector<512x1024xbf16>, vector<1024x512xbf16>, vector<512x512xf32> -> vector<512x512xf32>
    %get3A_10 = arith.constant 0 : index
    %get3A_11 = arith.constant 0 : index
    %get3A_12 = vector.load %arg3[%get3A_10, %get3A_11] : memref<1024x512xbf16, #tpu.memory_space<vmem>>, vector<1024x512xbf16>
    %dot_general3A_13 = arith.constant dense<0.000000e+00> : vector<512x512xf32>
    %dot_general3A_14 = tpu.matmul %concatenate3A, %get3A_12, %dot_general3A_13 {dimension_numbers = #tpu.dot_dimension_numbers<[1], [0], [0], [1], [0, 0, 1, 1], [], []>, transpose_lhs_hint = false} : vector<512x1024xbf16>, vector<1024x512xbf16>, vector<512x512xf32> -> vector<512x512xf32>
    %logistic3A = arith.negf %dot_general3A_9 : vector<512x512xf32>
    %logistic3A_15 = math.exp %logistic3A : vector<512x512xf32>
    %logistic3A_16 = arith.constant 1.000000e+00 : f32
    %logistic3A_17 = vector.broadcast %logistic3A_16 : f32 to vector<512x512xf32>
    %logistic3A_18 = arith.addf %logistic3A_17, %logistic3A_15 : vector<512x512xf32>
    %logistic3A_19 = arith.divf %logistic3A_17, %logistic3A_18 : vector<512x512xf32>
    %mul3A = arith.mulf %dot_general3A_9, %logistic3A_19 : vector<512x512xf32>
    %mul3A_20 = arith.mulf %mul3A, %dot_general3A_14 : vector<512x512xf32>
    %convert_element_type3A_21 = arith.truncf %mul3A_20 : vector<512x512xf32> to vector<512x512xbf16>
    %get3A_22 = arith.constant 0 : index
    %get3A_23 = arith.constant 0 : index
    %get3A_24 = vector.load %arg4[%get3A_22, %get3A_23] : memref<512x1024xbf16, #tpu.memory_space<vmem>>, vector<512x1024xbf16>
    %dot_general3A_25 = arith.constant dense<0.000000e+00> : vector<512x1024xf32>
    %dot_general3A_26 = tpu.matmul %convert_element_type3A_21, %get3A_24, %dot_general3A_25 {dimension_numbers = #tpu.dot_dimension_numbers<[1], [0], [0], [1], [0, 0, 1, 1], [], []>, transpose_lhs_hint = false} : vector<512x512xbf16>, vector<512x1024xbf16>, vector<512x1024xf32> -> vector<512x1024xf32>
    %get3A_27 = arith.constant 0 : index
    %get3A_28 = arith.constant 2 : index
    %get3A_29 = vector.load %arg7[%get3A_27, %get3A_28] : memref<512x128xf32, #tpu.memory_space<vmem>>, vector<512x1xf32>
    %get3A_30 = arith.constant 0 : index
    %get3A_31 = arith.constant 3 : index
    %get3A_32 = vector.load %arg7[%get3A_30, %get3A_31] : memref<512x128xf32, #tpu.memory_space<vmem>>, vector<512x1xf32>
    %get3A_33 = arith.constant 0 : index
    %get3A_34 = arith.constant 0 : index
    %get3A_35 = vector.load %arg5[%get3A_33, %get3A_34] : memref<512x512xi32, #tpu.memory_space<vmem>>, vector<512x512xi32>
    %convert_element_type3A_36 = arith.trunci %get3A_35 : vector<512x512xi32> to vector<512x512xi16>
    %bitcast_convert_type3A_37 = tpu.bitcast %convert_element_type3A_36 : vector<512x512xi16> -> vector<512x512xbf16>
    %shift_right_logical3A_38 = arith.constant 16 : i32
    %shift_right_logical3A_39 = vector.broadcast %shift_right_logical3A_38 : i32 to vector<512x512xi32>
    %shift_right_logical3A_40 = arith.shrui %get3A_35, %shift_right_logical3A_39 : vector<512x512xi32>
    %convert_element_type3A_41 = arith.trunci %shift_right_logical3A_40 : vector<512x512xi32> to vector<512x512xi16>
    %bitcast_convert_type3A_42 = tpu.bitcast %convert_element_type3A_41 : vector<512x512xi16> -> vector<512x512xbf16>
    %concatenate3A_43 = tpu.concatenate %bitcast_convert_type3A_37, %bitcast_convert_type3A_42 in 1 : vector<512x512xbf16>, vector<512x512xbf16> -> vector<512x1024xbf16>
    %convert_element_type3A_44 = arith.extf %concatenate3A_43 : vector<512x1024xbf16> to vector<512x1024xf32>
    %get3A_45 = arith.constant 0 : index
    %get3A_46 = arith.constant 0 : index
    %get3A_47 = vector.load %arg6[%get3A_45, %get3A_46] : memref<512x512xi32, #tpu.memory_space<vmem>>, vector<512x512xi32>
    %convert_element_type3A_48 = arith.trunci %get3A_47 : vector<512x512xi32> to vector<512x512xi16>
    %bitcast_convert_type3A_49 = tpu.bitcast %convert_element_type3A_48 : vector<512x512xi16> -> vector<512x512xbf16>
    %shift_right_logical3A_50 = arith.constant 16 : i32
    %shift_right_logical3A_51 = vector.broadcast %shift_right_logical3A_50 : i32 to vector<512x512xi32>
    %shift_right_logical3A_52 = arith.shrui %get3A_47, %shift_right_logical3A_51 : vector<512x512xi32>
    %convert_element_type3A_53 = arith.trunci %shift_right_logical3A_52 : vector<512x512xi32> to vector<512x512xi16>
    %bitcast_convert_type3A_54 = tpu.bitcast %convert_element_type3A_53 : vector<512x512xi16> -> vector<512x512xbf16>
    %concatenate3A_55 = tpu.concatenate %bitcast_convert_type3A_49, %bitcast_convert_type3A_54 in 1 : vector<512x512xbf16>, vector<512x512xbf16> -> vector<512x1024xbf16>
    %convert_element_type3A_56 = arith.extf %concatenate3A_55 : vector<512x1024xbf16> to vector<512x1024xf32>
    %mul3A_57 = vector.broadcast %get3A_29 : vector<512x1xf32> to vector<512x1024xf32>
    %mul3A_58 = arith.mulf %mul3A_57, %convert_element_type3A_44 : vector<512x1024xf32>
    %add3A = arith.addf %dot_general3A_26, %mul3A_58 : vector<512x1024xf32>
    %mul3A_59 = vector.broadcast %get3A_32 : vector<512x1xf32> to vector<512x1024xf32>
    %mul3A_60 = arith.mulf %mul3A_59, %convert_element_type3A_56 : vector<512x1024xf32>
    %add3A_61 = arith.addf %add3A, %mul3A_60 : vector<512x1024xf32>
    %swap3A = arith.constant 0 : index
    %swap3A_62 = arith.constant 0 : index
    %swap3A_63 = vector.load %arg8[%swap3A, %swap3A_62] : memref<512x1024xf32, #tpu.memory_space<vmem>>, vector<512x1024xf32>
    tpu.vector_store %arg8[%swap3A, %swap3A_62], %add3A_61 {strides = array<i32>} : memref<512x1024xf32, #tpu.memory_space<vmem>>, vector<512x1024xf32>,
    return
  }
  func.func @transform_0(%arg0: i32) -> (i32, i32) {
    %c0_i32 = arith.constant 0 : i32
    %c0_i32_0 = arith.constant 0 : i32
    return %arg0, %c0_i32 : i32, i32
  }
  func.func @transform_1(%arg0: i32) -> (i32, i32) {
    %c0_i32 = arith.constant 0 : i32
    %c0_i32_0 = arith.constant 0 : i32
    %c0_i32_1 = arith.constant 0 : i32
    return %c0_i32, %c0_i32_0 : i32, i32
  }
  func.func @transform_2(%arg0: i32) -> (i32, i32) {
    %c0_i32 = arith.constant 0 : i32
    %c0_i32_0 = arith.constant 0 : i32
    %c0_i32_1 = arith.constant 0 : i32
    return %c0_i32, %c0_i32_0 : i32, i32
  }
  func.func @transform_3(%arg0: i32) -> (i32, i32) {
    %c0_i32 = arith.constant 0 : i32
    %c0_i32_0 = arith.constant 0 : i32
    %c0_i32_1 = arith.constant 0 : i32
    return %c0_i32, %c0_i32_0 : i32, i32
  }
  func.func @transform_4(%arg0: i32) -> (i32, i32) {
    %c0_i32 = arith.constant 0 : i32
    %c0_i32_0 = arith.constant 0 : i32
    return %arg0, %c0_i32 : i32, i32
  }
  func.func @transform_5(%arg0: i32) -> (i32, i32) {
    %c0_i32 = arith.constant 0 : i32
    %c0_i32_0 = arith.constant 0 : i32
    return %arg0, %c0_i32 : i32, i32
  }
  func.func @transform_6(%arg0: i32) -> (i32, i32) {
    %c0_i32 = arith.constant 0 : i32
    %c0_i32_0 = arith.constant 0 : i32
    return %arg0, %c0_i32 : i32, i32
  }
  func.func @transform_7(%arg0: i32) -> (i32, i32) {
    %c0_i32 = arith.constant 0 : i32
    %c0_i32_0 = arith.constant 0 : i32
    return %arg0, %c0_i32 : i32, i32
  }
}

</mosaic_0001>

<sc_bundles>
// kernel: kernel.11.cloned.1.call-start
scs
__scs_entry_jumppad:
0x0: {  	(pc) =	sbr.rel $0x88, $3  }
0x1: {  	(tag) =	ssettag $0x0;
	lr =	simm.s32 $0x1  }
0x2: {  	[smem:$0x3F99] =	sst lr;
	_ =	strace $0xD0000000  }
0x3: {  	_ = 	snop  }
0x4: {  	_ = 	snop  }
0x5: {  	_ = 	snop  }
0x6: {  	_ = 	snop  }
0x7: {  	_ = 	snop  }
__scs_overlays_trampoline_lowered:
0x8: {  	[smem:$0x3FA8] =	sst s0  }
0x9: {  	[smem:$0x3FA9] =	sst s1  }
0xa: {  	[smem:$0x3FAA] =	sst s2  }
0xb: {  	[smem:$0x3FAB] =	sst s3  }
0xc: {  	[smem:$0x3FAC] =	sst s4  }
0xd: {  	[smem:$0x3FAD] =	sst s5  }
0xe: {  	[smem:$0x3FAE] =	sst s6  }
0xf: {  	[smem:$0x3FAF] =	sst s7  }
0x10: {  	[smem:$0x3FB0] =	sst s8  }
0x11: {  	[smem:$0x3FB1] =	sst s9;
	s0 =	simm.s32 @!p0 $0x0  }
0x12: {  	s1 =	sld [smem:$0x3F97];
	s0 =	simm.s32 @p0 $0x1  }
0x13: {  	[smem:$0x3FB2] =	sst s0;
	s0 =	simm.s32 @!p1 $0x0  }
0x14: {  	s2 =	sld [smem:$0x3F96];
	s0 =	simm.s32 @p1 $0x1  }
0x15: {  	[smem:$0x3FB3] =	sst s0;
	s0 =	simm.s32 @!p2 $0x0  }
0x16: {  	s3 =	sld [smem:$0x3FDB];
	s0 =	simm.s32 @p2 $0x1  }
0x17: {  	s4 =	simm.s32 $0x1BF5;
	[smem:$0x3FB5] =	sst s0  }
0x18: {  	s0 =	sld [smem:$0x3F98];
	_ =	swait.ge [sflag:s4], $0x0  }
0x19: {  	s7 =	sld [smem:$0x3F99]  }
0x1a: {  	s8 =	sadd.s32 $0xFFFFE003, lr  }
0x1b: {  	s9 =	sadd.s32 $0xFFFFFEF7, lr;
	s5 =	simm.s32 $0xFFFFFFFF;
	p2 =	slt.u32 s8, $0xFFFFF086  }
0x1c: {  	p1 =	slt.u32 s9, $0xF7A;
	s5 =	simm.s32 @!p2 $0x0  }
0x1d: {  	s5 =	simm.s32 @p1 $0x1;
	p0 =	seq.s32 s7, s2  }
0x1e: {  	s7 =	smul.u32 @!p0 $0xF7A, s2;
	p2 =	seq.s32 @!p0 s5, $0x0  }
0x1f: {  	s9 =	smul.u32 $0xF7A, s1;
	s8 =	simm.s32 @!p0 $0x1BF5;
	p2 =	por !p2, p0  }
0x20: {  	[sflag:s8] =	ssyncset.s32 @!p0 $0xFFFFF086;
	s6 =	sadd.s32 @!p0 s3, s7;
	s7 =	simm.s32 @!p0 $0x108  }
0x21: {  	s3 =	sadd.s32 s3, s9;
	s6 =	sadd.s32 @!p0 $0x88, s6;
	s7 =	simm.s32 @p2 $0x1082  }
0x22: {  	[simem:s7], [sflag:s8] =	dma.local @!p0 [hbm:s6], $0xF7A  }
0x23: {  	s9 =	sor.u32 $0xD0000000, s2;
	s6 =	simm.s32 $0x108;
	_ =	swait.ge @!p0 [sflag:s8], $0x0  }
0x24: {  	s3 =	sadd.s32 $0x88, s3;
	s6 =	simm.s32 @!p1 $0x1082;
	[sflag:s4] =	ssyncset.s32 $0xFFFFF086  }
0x25: {  	[simem:s6], [sflag:s4] =	dma.local [hbm:s3], $0xF7A  }
0x26: {  	[smem:$0x3F99] =	sst s1;
	(tag) =	ssettag s2;
	_ =	strace s9  }
0x27: {  	s1 =	sld [smem:$0x3FA9]  }
0x28: {  	s2 =	sld [smem:$0x3FAA]  }
0x29: {  	s4 =	sld [smem:$0x3FAC]  }
0x2a: {  	p0 =	seq.s32 s5, $0x0;
	s5 =	sld [smem:$0x3FAD]  }
0x2b: {  	s6 =	sld [smem:$0x3FAE]  }
0x2c: {  	s7 =	sld [smem:$0x3FAF]  }
0x2d: {  	s3 =	simm.s32 $0x108;
	s8 =	sld [smem:$0x3FB0]  }
0x2e: {  	s3 =	simm.s32 @!p0 $0x1082;
	s9 =	sld [smem:$0x3FB1]  }
0x2f: {  	lr =	sadd.s32 s0, s3;
	s0 =	sld [smem:$0x3FA8]  }
0x30: {  	s3 =	sld [smem:$0x3FAB]  }
0x31: {  	[smem:$0x3FB4] =	sst s10  }
0x32: {  	s10 =	sld [smem:$0x3FB2];
	_ =	sdelay $0x3  }
0x33: {  	p0 =	seq.s32 s10, $0x1;
	s10 =	sld [smem:$0x3FB4];
	_ =	sdelay $0x3  }
0x34: {  	[smem:$0x3FB4] =	sst s10  }
0x35: {  	s10 =	sld [smem:$0x3FB3];
	_ =	sdelay $0x3  }
0x36: {  	p1 =	seq.s32 s10, $0x1;
	s10 =	sld [smem:$0x3FB4];
	_ =	sdelay $0x3  }
0x37: {  	[smem:$0x3FB4] =	sst s10  }
0x38: {  	s10 =	sld [smem:$0x3FB5]  }
0x39: {  	_ = 	snop;
	(pc) =	sbr.ind lr, $3  }
0x3a: {  	_ = 	snop  }
0x3b: {  	_ = 	snop  }
0x3c: {  	p2 =	seq.s32 s10, $0x1;
	s10 =	sld [smem:$0x3FB4]  }
0x3d: {  	_ =	shalt  }
0x3e: {  	_ =	shalt  }
0x3f: {  	_ =	shalt  }
0x40: {  	_ =	shalt  }
0x41: {  	_ =	shalt  }
0x42: {  	_ =	shalt  }
0x43: {  	_ =	shalt  }
0x44: {  	_ =	shalt  }
0x45: {  	_ =	shalt  }
0x46: {  	_ =	shalt  }
0x47: {  	_ =	shalt  }
0x48: {  	_ =	shalt  }
0x49: {  	_ =	shalt  }
0x4a: {  	_ =	shalt  }
0x4b: {  	_ =	shalt  }
0x4c: {  	_ =	shalt  }
0x4d: {  	_ =	shalt  }
0x4e: {  	_ =	shalt  }
0x4f: {  	_ =	shalt  }
0x50: {  	_ =	shalt  }
0x51: {  	_ =	shalt  }
0x52: {  	_ =	shalt  }
0x53: {  	_ =	shalt  }
0x54: {  	_ =	shalt  }
0x55: {  	_ =	shalt  }
0x56: {  	_ =	shalt  }
0x57: {  	_ =	shalt  }
0x58: {  	_ =	shalt  }
0x59: {  	_ =	shalt  }
0x5a: {  	_ =	shalt  }
0x5b: {  	_ =	shalt  }
0x5c: {  	_ =	shalt  }
0x5d: {  	_ =	shalt  }
0x5e: {  	_ =	shalt  }
0x5f: {  	_ =	shalt  }
0x60: {  	_ =	shalt  }
0x61: {  	_ =	shalt  }
0x62: {  	_ =	shalt  }
0x63: {  	_ =	shalt  }
0x64: {  	_ =	shalt  }
0x65: {  	_ =	shalt  }
0x66: {  	_ =	shalt  }
0x67: {  	_ =	shalt  }
0x68: {  	_ =	shalt  }
0x69: {  	_ =	shalt  }
0x6a: {  	_ =	shalt  }
0x6b: {  	_ =	shalt  }
0x6c: {  	_ =	shalt  }
0x6d: {  	_ =	shalt  }
0x6e: {  	_ =	shalt  }
0x6f: {  	_ =	shalt  }
0x70: {  	_ =	shalt  }
0x71: {  	_ =	shalt  }
0x72: {  	_ =	shalt  }
0x73: {  	_ =	shalt  }
0x74: {  	_ =	shalt  }
0x75: {  	_ =	shalt  }
0x76: {  	_ =	shalt  }
0x77: {  	_ =	shalt  }
0x78: {  	_ =	shalt  }
0x79: {  	_ =	shalt  }
0x7a: {  	_ =	shalt  }
0x7b: {  	_ =	shalt  }
0x7c: {  	_ =	shalt  }
0x7d: {  	_ =	shalt  }
0x7e: {  	_ =	shalt  }
0x7f: {  	_ =	shalt  }
0x80: {  	_ =	shalt  }
0x81: {  	_ =	shalt  }
0x82: {  	_ =	shalt  }
0x83: {  	_ =	shalt  }
0x84: {  	_ =	shalt  }
0x85: {  	_ =	shalt  }
0x86: {  	_ =	shalt  }
0x87: {  	_ =	shalt  }
.Lfunc_end0:
.L_simem_size_0:
called_computation.1_lowered:
.L_overlay_start_0:
0x88: {  	s2 =	sld [smem:$0x3FD9]  }
0x89: {  	s3 =	sld [smem:$0x3FFE];
	_ =	sdelay $0x1  }
0x8a: {  	s1 =	srdreg.scid  }
0x8b: {  	s0 =	sand.u32 $0x1, s1  }
0x8c: {  	s16 =	sshll.u32 s0, $0xA;
	s2 =	sadd.s32 s3, s2  }
0x8d: {  	s2 =	sadd.s32 s2, s16  }
0x8e: {  	[smem:$0x3FC0] =	sst s2  }
0x8f: {  	_ = 	snop  }
0x90: {  	(tm) =	ssettm $0x1  }
0x91: {  	s17 =	sld [smem:$0x3FFB];
	_ =	sdelay $0x3  }
0x92: {  	_ =	strace s17  }
0x93: {  	s2 =	sld [smem:$0x3FFC];
	_ =	sdelay $0x3  }
0x94: {  	_ =	strace s2  }
0x95: {  	s2 =	sld [smem:$0x3FFD];
	_ =	sdelay $0x3  }
0x96: {  	_ =	strace s2  }
0x97: {  	_ =	strace $0x8FFFFFFF  }
0x98: {  	s18 =	sld [smem:$0x3FDB];
	_ =	sdelay $0x1  }
0x99: {  	s19 =	simm.s32 $_scs_section_size  }
0x9a: {  	s4 =	simm.s32 $_size__tile_overlayer_lowered;
	s5 =	simm.s32 $_tile_overlayer_lowered  }
0x9b: {  	s22 =	simm.s32 $0x1BFF;
	s21 =	sshll.u32 s5, $0x1;
	s2 =	sadd.s32 s19, s18  }
0x9c: {  	s6 =	simm.s32 $0x0;
	s20 =	sshll.u32 s4, $0x1;
	s4 =	sadd.s32 s21, s2  }
0x9d: {  	[timem:s6], [sflag:s22] =	dma.local [hbm:s4], s20  }
0x9e: {  	_ =	swait.ge [sflag:s22], s20  }
0x9f: {  	s3 =	ssub.s32 $0x0, s20;
	[sflag:s22] =	ssyncset.done $0x0  }
0xa0: {  	[sflag:s22] =	ssyncadd.s32 s3;
	_ =	sdelay $0x1  }
0xa1: {  	s23 =	simm.s32 $0x1B8B  }
0xa2: {  	_ =	swait.ge [sflag:s23], $0x1  }
0xa3: {  	[sflag:s23] =	ssyncset.done $0x0  }
0xa4: {  	s25 =	simm.s32 $0x1B8E;
	s24 =	sld [smem:$0x3FFE];
	[sflag:s23] =	ssyncadd.s32 $0xFFFFFFFF  }
0xa5: {  	s26 =	simm.s32 $execute0_lowered;
	[smem:$0x3FD2] =	sst s25  }
0xa6: {  	s4 =	sshll.u32 s26, $0x1;
	_ =	strace $0x80000049;
	[dreg:$0x1] =	wrdreg $0xFFFFFFFF  }
0xa7: {  	s28 =	simm.s32 $_size_execute0_lowered;
	s2 =	sadd.s32 s2, s4;
	[dreg:$0x0] =	wrdreg $0x0  }
0xa8: {  	s4 =	sshll.u32 s28, $0x1;
	[dreg:$0x2] =	wrdreg s2  }
0xa9: {  	[dreg:$0x3] =	wrdreg s4  }
0xaa: {  	[dreg:$0x4] =	wrdreg $0xC0  }
0xab: {  	_ =	task [dreg:s6], $0x5FFFF  }
0xac: {  	[dreg:$0x1] =	wrdreg $0xFFFFFFFF  }
0xad: {  	[dreg:$0x0] =	wrdreg $0x60  }
0xae: {  	[dreg:$0x2] =	wrdreg s24  }
0xaf: {  	[dreg:$0x3] =	wrdreg $0x9  }
0xb0: {  	_ =	task.clear_ibuf [dreg:s6], $0x4FFFF;
	_ =	strace $0x90000049  }
0xb1: {  	s29 =	simm.s32 $0x9;
	_ =	strace $0x8000004B  }
0xb2: {  	_ =	swait.ge [sflag:s29], $0x1  }
0xb3: {  	[sflag:s29] =	ssyncadd.s32 $0xFFFFFFFF  }
0xb4: {  	_ =	strace $0x9000004B  }
0xb5: {  	_ =	sfence  }
0xb6: {  	s30 =	sld [smem:$0x0];
	_ =	sdelay $0x2  }
0xb7: {  	s31 =	sshll.u32 s1, $0xD;
	s1 =	sshrl.u32 s1, $0x2  }
0xb8: {  	s3 =	sand.u32 $0x4000, s31;
	s1 =	sadd.s32 s1, s30  }
0xb9: {  	s0 =	sor.u32 s3, s0;
	s1 =	sshll.u32 s1, $0x11  }
0xba: {  	s0 =	sor.u32 s1, s0  }
0xbb: {  	s0 =	sadd.s32 $0x8F2B, s0  }
0xbc: {  	[sflag:s0] =	ssyncadd.remote.s32 $0x1  }
0xbd: {  	_ =	sfence.sel $0xFFFF  }
0xbe: {  	[dreg:$0x0] =	wrdreg $0xFFFFFFFF;
	(pc) =	sbr.abs _section_cstart, $3  }
0xbf: {  	[dreg:$0x1] =	wrdreg $0xFFFFFFFF  }
0xc0: {  	_ =	task.clear_ibuf [dreg:s6], $0x2FFFF;
	_ =	strace $0x9FFFFFFF  }
0xc1: {  	(tm) =	ssettm $0x7FFFFFFF  }
tec
execute0_lowered:
.L_overlay_start_1:
0x0: {  	(tag) =	ssettag $0x1  }
0x1: {  	s1 =	srdreg.scid;
	s0 =	stileid.u32  }
0x2: {  	s4 =	rddreg [dreg:$0x0];
	s17 =	simm.s32 $0x10000;
	s18 =	simm.s32 $0x10080  }
0x3: {  	s19 =	simm.s32 $0x800;
	s20 =	simm.s32 $0x1000;
	s21 =	simm.s32 $0x1800  }
0x4: {  	s23 =	simm.s32 $0x2000;
	s24 =	simm.s32 $0x2800;
	s25 =	simm.s32 $0x3000  }
0x5: {  	s26 =	simm.s32 $0x3800;
	s8 =	simm.s32 $0x4800;
	s1 =	sand.u32 $0x1, s1  }
0x6: {  	s9 =	simm.s32 $0x5000;
	s2 =	sshll.u32 s0, $0x7;
	s3 =	sshll.u32 s1, $0x6  }
0x7: {  	s10 =	simm.s32 $0x5800;
	s3 =	sor.u32 s3, s2;
	s2 =	simm.s32 $0x0  }
0x8: {  	s11 =	simm.s32 $0x6000;
	s12 =	simm.s32 $0x6800;
	[smem:$0x7FF] =	sst s2  }
0x9: {  	s13 =	simm.s32 $0x7000;
	_ =	strace $0x8000004A;
	[dreg:$0x6] =	wrdreg s17  }
0xa: {  	s14 =	simm.s32 $0x7800;
	s15 =	simm.s32 $0x8000;
	[dreg:$0x7] =	wrdreg s18  }
0xb: {  	s28 =	simm.s32 $0xE000;
	s29 =	simm.s32 $0xE800;
	[dreg:$0x8] =	wrdreg s19  }
0xc: {  	s30 =	simm.s32 $0xF000;
	s1 =	ssub.s32 $0x2, s1;
	[dreg:$0x9] =	wrdreg s20  }
0xd: {  	s31 =	simm.s32 $0xF800;
	s22 =	sshrl.u32 s1, $0x1;
	[dreg:$0xa] =	wrdreg s21  }
0xe: {  	s5 =	sshrl.u32 s3, $0x3;
	s3 =	sshll.u32 s3, $0x6;
	[dreg:$0xb] =	wrdreg s23  }
0xf: {  	s1 =	ssub.s32 s1, s22;
	s22 =	simm.s32 $0xB800;
	[dreg:$0xc] =	wrdreg s24  }
0x10: {  	s5 =	sadd.s32 s5, s4;
	s3 =	sadd.s32 s3, s4;
	[dreg:$0xd] =	wrdreg s25  }
0x11: {  	[dreg:$0xe] =	wrdreg s26;
	s17 =	simm.s32 $0x9000;
	s18 =	simm.s32 $0x9800  }
0x12: {  	s19 =	simm.s32 $0xA000;
	s20 =	simm.s32 $0xA800;
	s6 =	sadd.s32 $0x2600, s5  }
0x13: {  	s21 =	simm.s32 $0xB000;
	s5 =	sadd.s32 $0x2400, s5;
	[dreg:$0x2] =	wrdreg s6  }
0x14: {  	s23 =	simm.s32 $0xC000;
	s16 =	sadd.s32 $0x2800, s3;
	[dreg:$0x3] =	wrdreg s5  }
0x15: {  	s24 =	simm.s32 $0xC800;
	s3 =	sadd.s32 $0x22800, s3;
	[dreg:$0x4] =	wrdreg s16  }
0x16: {  	v2 =	vlaneseq.u32;
	s25 =	simm.s32 $0xD000;
	s26 =	simm.s32 $0xD800;
	[dreg:$0x5] =	wrdreg s3  }
0x17: {  	vm0 =	vmmov $0xffff;
	v1 =	vshrl.u32 v2, $0x3;
	s3 =	sadd.s32 $0x82800, s4;
	s4 =	sadd.s32 $0x82900, s4;
	s5 =	smax.u32 s1, $0x1  }
0x18: {  	v0 =	vand.u32 $0x7, v2;
	v2 =	vor.u32 $0x8, v2;
	v1 =	vmul.u32 $0x8, v1;
	s6 =	simm.s32 $0x2;
	s16 =	simm.s32 $0x8800;
	s1 =	simm.s32 $0x1  }
.LBB2_1:
0x19: {  	s0 =	rddreg [dreg:$0x2]  }
0x1a: {  	s7 =	rddreg [dreg:$0x6]  }
0x1b: {  	[tilespmem:s7], [sflag:$0x2] =	stream.linear.gather [hbm4b:s0+s2], $0x40, $0x38;
	[tilespmem:$0x10100] =	vst v63  }
0x1c: {  	_ =	swait.ge [sflag:s6], $0x40  }
0x1d: {  	s0 =	rddreg [dreg:$0x3];
	[sflag:s6] =	ssyncset.done $0x0  }
0x1e: {  	s7 =	rddreg [dreg:$0x7];
	[sflag:s6] =	ssyncadd.s32 $0xFFFFFFC0  }
0x1f: {  	[tilespmem:s7], [sflag:$0x2] =	stream.linear.gather [hbm4b:s0+s2], $0x40, $0x38;
	[tilespmem:$0x10100] =	vst v63  }
0x20: {  	_ =	swait.ge [sflag:s6], $0x40  }
0x21: {  	[sflag:s6] =	ssyncset.done $0x0  }
0x22: {  	[sflag:s6] =	ssyncadd.s32 $0xFFFFFFC0  }
0x23: {  	v3 =	vld [tilespmem:$0x10000];
	_ =	sdelay $0x4  }
0x24: {  	v4 =	vshll.u32 v3, $0x2  }
0x25: {  	v3 =	vand.u32 $0x7, v3;
	v4 =	vand.u32 $0xFFFFFFE0, v4  }
0x26: {  	v3 =	vor.u32 v3, v4  }
0x27: {  	v4 =	vperm.xlane v3, v0;
	_ =	sdelay $0x1  }
0x28: {  	v4 =	vadd.s32 v1, v4;
	_ =	sdelay $0x1  }
0x29: {  	v3 =	vperm.xlane v3, v2;
	_ =	sdelay $0x1  }
0x2a: {  	v3 =	vadd.s32 v1, v3  }
0x2b: {  	[tilespmem:s2], [sflag:$0x1] =	stream.indirect_vreg.gather [hbm4b:s3+s2], $0x80, v4, vm0, $0xb8;
	[tilespmem:$0x10100] =	vst v63  }
0x2c: {  	s0 =	rddreg [dreg:$0x8]  }
0x2d: {  	[tilespmem:s0], [sflag:$0x1] =	stream.indirect_vreg.gather [hbm4b:s4+s2], $0x80, v4, vm0, $0xb8;
	[tilespmem:$0x10100] =	vst v63  }
0x2e: {  	s7 =	rddreg [dreg:$0x9]  }
0x2f: {  	[tilespmem:s7], [sflag:$0x1] =	stream.indirect_vreg.gather [hbm4b:s3+s2], $0x80, v3, vm0, $0xb8;
	[tilespmem:$0x10100] =	vst v63  }
0x30: {  	s0 =	rddreg [dreg:$0xa]  }
0x31: {  	[tilespmem:s0], [sflag:$0x1] =	stream.indirect_vreg.gather [hbm4b:s4+s2], $0x80, v3, vm0, $0xb8;
	[tilespmem:$0x10100] =	vst v63  }
0x32: {  	v3 =	vld [tilespmem:$0x10010];
	_ =	sdelay $0x4  }
0x33: {  	v57 =	vshll.u32 v3, $0x2  }
0x34: {  	v3 =	vand.u32 $0x7, v3;
	v4 =	vand.u32 $0xFFFFFFE0, v57  }
0x35: {  	v3 =	vor.u32 v3, v4  }
0x36: {  	v4 =	vperm.xlane v3, v0;
	_ =	sdelay $0x1  }
0x37: {  	v4 =	vadd.s32 v1, v4;
	_ =	sdelay $0x1  }
0x38: {  	v3 =	vperm.xlane v3, v2;
	_ =	sdelay $0x1  }
0x39: {  	s0 =	rddreg [dreg:$0xb];
	v3 =	vadd.s32 v1, v3  }
0x3a: {  	[tilespmem:s0], [sflag:$0x1] =	stream.indirect_vreg.gather [hbm4b:s3+s2], $0x80, v4, vm0, $0xb8;
	[tilespmem:$0x10100] =	vst v63  }
0x3b: {  	s7 =	rddreg [dreg:$0xc]  }
0x3c: {  	[tilespmem:s7], [sflag:$0x1] =	stream.indirect_vreg.gather [hbm4b:s4+s2], $0x80, v4, vm0, $0xb8;
	[tilespmem:$0x10100] =	vst v63  }
0x3d: {  	s0 =	rddreg [dreg:$0xd]  }
0x3e: {  	[tilespmem:s0], [sflag:$0x1] =	stream.indirect_vreg.gather [hbm4b:s3+s2], $0x80, v3, vm0, $0xb8;
	[tilespmem:$0x10100] =	vst v63  }
0x3f: {  	s7 =	rddreg [dreg:$0xe]  }
0x40: {  	[tilespmem:s7], [sflag:$0x1] =	stream.indirect_vreg.gather [hbm4b:s4+s2], $0x80, v3, vm0, $0xb8;
	[tilespmem:$0x10100] =	vst v63  }
0x41: {  	v3 =	vld [tilespmem:$0x10020];
	_ =	sdelay $0x4  }
0x42: {  	v58 =	vshll.u32 v3, $0x2  }
0x43: {  	v3 =	vand.u32 $0x7, v3;
	v4 =	vand.u32 $0xFFFFFFE0, v58  }
0x44: {  	v3 =	vor.u32 v3, v4  }
0x45: {  	v4 =	vperm.xlane v3, v0;
	_ =	sdelay $0x1  }
0x46: {  	v4 =	vadd.s32 v1, v4;
	_ =	sdelay $0x1  }
0x47: {  	v3 =	vperm.xlane v3, v2;
	_ =	sdelay $0x1  }
0x48: {  	s7 =	simm.s32 $0x4000;
	v3 =	vadd.s32 v1, v3  }
0x49: {  	[tilespmem:s7], [sflag:$0x1] =	stream.indirect_vreg.gather [hbm4b:s3+s2], $0x80, v4, vm0, $0xb8;
	[tilespmem:$0x10100] =	vst v63  }
0x4a: {  	_ = 	snop  }
0x4b: {  	[tilespmem:s8], [sflag:$0x1] =	stream.indirect_vreg.gather [hbm4b:s4+s2], $0x80, v4, vm0, $0xb8;
	[tilespmem:$0x10100] =	vst v63  }
0x4c: {  	_ = 	snop  }
0x4d: {  	[tilespmem:s9], [sflag:$0x1] =	stream.indirect_vreg.gather [hbm4b:s3+s2], $0x80, v3, vm0, $0xb8;
	[tilespmem:$0x10100] =	vst v63  }
0x4e: {  	_ = 	snop  }
0x4f: {  	[tilespmem:s10], [sflag:$0x1] =	stream.indirect_vreg.gather [hbm4b:s4+s2], $0x80, v3, vm0, $0xb8;
	[tilespmem:$0x10100] =	vst v63  }
0x50: {  	v3 =	vld [tilespmem:$0x10030];
	_ =	sdelay $0x4  }
0x51: {  	v59 =	vshll.u32 v3, $0x2  }
0x52: {  	v3 =	vand.u32 $0x7, v3;
	v4 =	vand.u32 $0xFFFFFFE0, v59  }
0x53: {  	v3 =	vor.u32 v3, v4  }
0x54: {  	v4 =	vperm.xlane v3, v0;
	_ =	sdelay $0x1  }
0x55: {  	v4 =	vadd.s32 v1, v4;
	_ =	sdelay $0x1  }
0x56: {  	v3 =	vperm.xlane v3, v2;
	_ =	sdelay $0x1  }
0x57: {  	v3 =	vadd.s32 v1, v3  }
0x58: {  	[tilespmem:s11], [sflag:$0x1] =	stream.indirect_vreg.gather [hbm4b:s3+s2], $0x80, v4, vm0, $0xb8;
	[tilespmem:$0x10100] =	vst v63  }
0x59: {  	_ = 	snop  }
0x5a: {  	[tilespmem:s12], [sflag:$0x1] =	stream.indirect_vreg.gather [hbm4b:s4+s2], $0x80, v4, vm0, $0xb8;
	[tilespmem:$0x10100] =	vst v63  }
0x5b: {  	_ = 	snop  }
0x5c: {  	[tilespmem:s13], [sflag:$0x1] =	stream.indirect_vreg.gather [hbm4b:s3+s2], $0x80, v3, vm0, $0xb8;
	[tilespmem:$0x10100] =	vst v63  }
0x5d: {  	_ = 	snop  }
0x5e: {  	[tilespmem:s14], [sflag:$0x1] =	stream.indirect_vreg.gather [hbm4b:s4+s2], $0x80, v3, vm0, $0xb8;
	[tilespmem:$0x10100] =	vst v63  }
0x5f: {  	v3 =	vld [tilespmem:$0x10080];
	_ =	sdelay $0x4  }
0x60: {  	v60 =	vshll.u32 v3, $0x2  }
0x61: {  	v3 =	vand.u32 $0x7, v3;
	v4 =	vand.u32 $0xFFFFFFE0, v60  }
0x62: {  	v3 =	vor.u32 v3, v4  }
0x63: {  	v4 =	vperm.xlane v3, v0;
	_ =	sdelay $0x1  }
0x64: {  	v4 =	vadd.s32 v1, v4;
	_ =	sdelay $0x1  }
0x65: {  	v3 =	vperm.xlane v3, v2;
	_ =	sdelay $0x1  }
0x66: {  	v3 =	vadd.s32 v1, v3  }
0x67: {  	[tilespmem:s15], [sflag:$0x1] =	stream.indirect_vreg.gather [hbm4b:s3+s2], $0x80, v4, vm0, $0xb8;
	[tilespmem:$0x10100] =	vst v63  }
0x68: {  	_ = 	snop  }
0x69: {  	[tilespmem:s16], [sflag:$0x1] =	stream.indirect_vreg.gather [hbm4b:s4+s2], $0x80, v4, vm0, $0xb8;
	[tilespmem:$0x10100] =	vst v63  }
0x6a: {  	_ = 	snop  }
0x6b: {  	[tilespmem:s17], [sflag:$0x1] =	stream.indirect_vreg.gather [hbm4b:s3+s2], $0x80, v3, vm0, $0xb8;
	[tilespmem:$0x10100] =	vst v63  }
0x6c: {  	_ = 	snop  }
0x6d: {  	[tilespmem:s18], [sflag:$0x1] =	stream.indirect_vreg.gather [hbm4b:s4+s2], $0x80, v3, vm0, $0xb8;
	[tilespmem:$0x10100] =	vst v63  }
0x6e: {  	v3 =	vld [tilespmem:$0x10090];
	_ =	sdelay $0x4  }
0x6f: {  	v61 =	vshll.u32 v3, $0x2  }
0x70: {  	v3 =	vand.u32 $0x7, v3;
	v4 =	vand.u32 $0xFFFFFFE0, v61  }
0x71: {  	v3 =	vor.u32 v3, v4  }
0x72: {  	v4 =	vperm.xlane v3, v0;
	_ =	sdelay $0x1  }
0x73: {  	v4 =	vadd.s32 v1, v4;
	_ =	sdelay $0x1  }
0x74: {  	v3 =	vperm.xlane v3, v2;
	_ =	sdelay $0x1  }
0x75: {  	v3 =	vadd.s32 v1, v3  }
0x76: {  	[tilespmem:s19], [sflag:$0x1] =	stream.indirect_vreg.gather [hbm4b:s3+s2], $0x80, v4, vm0, $0xb8;
	[tilespmem:$0x10100] =	vst v63  }
0x77: {  	_ = 	snop  }
0x78: {  	[tilespmem:s20], [sflag:$0x1] =	stream.indirect_vreg.gather [hbm4b:s4+s2], $0x80, v4, vm0, $0xb8;
	[tilespmem:$0x10100] =	vst v63  }
0x79: {  	_ = 	snop  }
0x7a: {  	[tilespmem:s21], [sflag:$0x1] =	stream.indirect_vreg.gather [hbm4b:s3+s2], $0x80, v3, vm0, $0xb8;
	[tilespmem:$0x10100] =	vst v63  }
0x7b: {  	_ = 	snop  }
0x7c: {  	[tilespmem:s22], [sflag:$0x1] =	stream.indirect_vreg.gather [hbm4b:s4+s2], $0x80, v3, vm0, $0xb8;
	[tilespmem:$0x10100] =	vst v63  }
0x7d: {  	v3 =	vld [tilespmem:$0x100A0];
	_ =	sdelay $0x4  }
0x7e: {  	v62 =	vshll.u32 v3, $0x2  }
0x7f: {  	v3 =	vand.u32 $0x7, v3;
	v4 =	vand.u32 $0xFFFFFFE0, v62  }
0x80: {  	v3 =	vor.u32 v3, v4  }
0x81: {  	v4 =	vperm.xlane v3, v0;
	_ =	sdelay $0x1  }
0x82: {  	v4 =	vadd.s32 v1, v4;
	_ =	sdelay $0x1  }
0x83: {  	v3 =	vperm.xlane v3, v2;
	_ =	sdelay $0x1  }
0x84: {  	v3 =	vadd.s32 v1, v3  }
0x85: {  	[tilespmem:s23], [sflag:$0x1] =	stream.indirect_vreg.gather [hbm4b:s3+s2], $0x80, v4, vm0, $0xb8;
	[tilespmem:$0x10100] =	vst v63  }
0x86: {  	_ = 	snop  }
0x87: {  	[tilespmem:s24], [sflag:$0x1] =	stream.indirect_vreg.gather [hbm4b:s4+s2], $0x80, v4, vm0, $0xb8;
	[tilespmem:$0x10100] =	vst v63  }
0x88: {  	_ = 	snop  }
0x89: {  	[tilespmem:s25], [sflag:$0x1] =	stream.indirect_vreg.gather [hbm4b:s3+s2], $0x80, v3, vm0, $0xb8;
	[tilespmem:$0x10100] =	vst v63  }
0x8a: {  	_ = 	snop  }
0x8b: {  	[tilespmem:s26], [sflag:$0x1] =	stream.indirect_vreg.gather [hbm4b:s4+s2], $0x80, v3, vm0, $0xb8;
	[tilespmem:$0x10100] =	vst v63  }
0x8c: {  	v3 =	vld [tilespmem:$0x100B0];
	_ =	sdelay $0x4  }
0x8d: {  	v63 =	vshll.u32 v3, $0x2  }
0x8e: {  	v3 =	vand.u32 $0x7, v3;
	v4 =	vand.u32 $0xFFFFFFE0, v63  }
0x8f: {  	v3 =	vor.u32 v3, v4  }
0x90: {  	v4 =	vperm.xlane v3, v0;
	_ =	sdelay $0x1  }
0x91: {  	v4 =	vadd.s32 v1, v4;
	_ =	sdelay $0x1  }
0x92: {  	v3 =	vperm.xlane v3, v2;
	_ =	sdelay $0x1  }
0x93: {  	v3 =	vadd.s32 v1, v3  }
0x94: {  	[tilespmem:s28], [sflag:$0x1] =	stream.indirect_vreg.gather [hbm4b:s3+s2], $0x80, v4, vm0, $0xb8;
	[tilespmem:$0x10100] =	vst v63  }
0x95: {  	_ = 	snop  }
0x96: {  	[tilespmem:s29], [sflag:$0x1] =	stream.indirect_vreg.gather [hbm4b:s4+s2], $0x80, v4, vm0, $0xb8;
	[tilespmem:$0x10100] =	vst v63  }
0x97: {  	_ = 	snop  }
0x98: {  	[tilespmem:s30], [sflag:$0x1] =	stream.indirect_vreg.gather [hbm4b:s3+s2], $0x80, v3, vm0, $0xb8;
	[tilespmem:$0x10100] =	vst v63  }
0x99: {  	_ = 	snop  }
0x9a: {  	[tilespmem:s31], [sflag:$0x1] =	stream.indirect_vreg.gather [hbm4b:s4+s2], $0x80, v3, vm0, $0xb8;
	[tilespmem:$0x10100] =	vst v63  }
0x9b: {  	_ =	swait.ge [sflag:s1], $0x8000  }
0x9c: {  	[sflag:s1] =	ssyncset.done $0x0  }
0x9d: {  	s7 =	rddreg [dreg:$0x4];
	[sflag:s1] =	ssyncadd.s32 $0xFFFF8000  }
0x9e: {  	[hbm4b:s7+s2] =	stream.linear.scatter [tilespmem:s2], [sflag:$0x2], $0x8000, $0x38;
	[tilespmem:$0x10100] =	vst v63  }
0x9f: {  	_ =	swait.ge [sflag:s6], $0x8000  }
0xa0: {  	[sflag:s6] =	ssyncset.done $0x0  }
0xa1: {  	[sflag:s6] =	ssyncadd.s32 $0xFFFF8000  }
0xa2: {  	_ =	swait.ge [sflag:s1], $0x8000  }
0xa3: {  	p0 =	sne.s32 s5, $0x1;
	[sflag:s1] =	ssyncset.done $0x0  }
.Ltmp0:
0xa4: {  	s7 =	rddreg [dreg:$0x5];
	[sflag:s1] =	ssyncadd.s32 $0xFFFF8000;
	(pc) =	sbr.rel @p0 .LBB2_1-.Ltmp0, $4  }
0xa5: {  	[hbm4b:s7+s2] =	stream.linear.scatter [tilespmem:s15], [sflag:$0x2], $0x8000, $0x38;
	[tilespmem:$0x10100] =	vst v63  }
0xa6: {  	_ =	swait.ge [sflag:s6], $0x8000  }
0xa7: {  	[sflag:s6] =	ssyncset.done $0x0  }
0xa8: {  	s5 =	sadd.s32 $0xFFFFFFFF, s5;
	[sflag:s6] =	ssyncadd.s32 $0xFFFF8000  }
0xa9: {  	_ =	sfence.sel $0x180000  }
0xaa: {  	[bflag:$0x0] =	sbarrier.arrive $0xFFFF  }
0xab: {  	_ =	strace $0x9000004A  }
0xac: {  	s0 =	stileid.u32;
	[bflag:$0x2] =	sbarrier.arrive $0xFFFF  }
0xad: {  	p0 =	sne.s32 s0, $0x0;
	s0 =	rddreg [dreg:$0x1]  }
0xae: {  	s0 =	sadd.s32 @!p0 $0x100000, s0  }
0xaf: {  	[sflag:s0] =	ssyncadd.tile.s32 @!p0 $0x1;
	_ =	shalt  }
.Lfunc_end2:
_tile_overlayer_lowered:
.L_overlay_start_2:
0xb0: {  	(tag) =	ssettag $0x2  }
0xb1: {  	s0 =	rddreg [dreg:$0x0];
	s2 =	stileid.u32  }
0xb2: {  	s1 =	rddreg [dreg:$0x1];
	p0 =	sne.s32 s2, $0x0  }
0xb3: {  	s3 =	rddreg [dreg:$0x2];
	[bflag:$0x3] =	sbarrier.arrive $0xFFFF;
	s2 =	simm.s32 @!p0 $0x1C02  }
0xb4: {  	[timem:s3], [sflag:s2] =	dma.local @!p0 [hbm:s0], s1  }
0xb5: {  	s0 =	simm.s32 @!p0 $0x2  }
0xb6: {  	_ =	swait.ge @!p0 [sflag:s0], s1  }
0xb7: {  	s1 =	ssub.s32 @!p0 $0x0, s1;
	[sflag:s0] =	ssyncset.done @!p0 $0x0  }
0xb8: {  	[sflag:s0] =	ssyncadd.s32 @!p0 s1  }
0xb9: {  	[bflag:$0x3] =	sbarrier.arrive $0xFFFF  }
0xba: {  	_ =	shalt  }

// kernel: kernel.8.cloned.1.call-start
scs
__scs_entry_jumppad:
0x0: {  	(pc) =	sbr.rel $0x88, $3  }
0x1: {  	(tag) =	ssettag $0x0;
	lr =	simm.s32 $0x1  }
0x2: {  	[smem:$0x3F99] =	sst lr;
	_ =	strace $0xD0000000  }
0x3: {  	_ = 	snop  }
0x4: {  	_ = 	snop  }
0x5: {  	_ = 	snop  }
0x6: {  	_ = 	snop  }
0x7: {  	_ = 	snop  }
__scs_overlays_trampoline_lowered:
0x8: {  	[smem:$0x3FA8] =	sst s0  }
0x9: {  	[smem:$0x3FA9] =	sst s1  }
0xa: {  	[smem:$0x3FAA] =	sst s2  }
0xb: {  	[smem:$0x3FAB] =	sst s3  }
0xc: {  	[smem:$0x3FAC] =	sst s4  }
0xd: {  	[smem:$0x3FAD] =	sst s5  }
0xe: {  	[smem:$0x3FAE] =	sst s6  }
0xf: {  	[smem:$0x3FAF] =	sst s7  }
0x10: {  	[smem:$0x3FB0] =	sst s8  }
0x11: {  	[smem:$0x3FB1] =	sst s9;
	s0 =	simm.s32 @!p0 $0x0  }
0x12: {  	s1 =	sld [smem:$0x3F97];
	s0 =	simm.s32 @p0 $0x1  }
0x13: {  	[smem:$0x3FB2] =	sst s0;
	s0 =	simm.s32 @!p1 $0x0  }
0x14: {  	s2 =	sld [smem:$0x3F96];
	s0 =	simm.s32 @p1 $0x1  }
0x15: {  	[smem:$0x3FB3] =	sst s0;
	s0 =	simm.s32 @!p2 $0x0  }
0x16: {  	s3 =	sld [smem:$0x3FDB];
	s0 =	simm.s32 @p2 $0x1  }
0x17: {  	s4 =	simm.s32 $0x1BF5;
	[smem:$0x3FB5] =	sst s0  }
0x18: {  	s0 =	sld [smem:$0x3F98];
	_ =	swait.ge [sflag:s4], $0x0  }
0x19: {  	s7 =	sld [smem:$0x3F99]  }
0x1a: {  	s8 =	sadd.s32 $0xFFFFE003, lr  }
0x1b: {  	s9 =	sadd.s32 $0xFFFFFEF7, lr;
	s5 =	simm.s32 $0xFFFFFFFF;
	p2 =	slt.u32 s8, $0xFFFFF086  }
0x1c: {  	p1 =	slt.u32 s9, $0xF7A;
	s5 =	simm.s32 @!p2 $0x0  }
0x1d: {  	s5 =	simm.s32 @p1 $0x1;
	p0 =	seq.s32 s7, s2  }
0x1e: {  	s7 =	smul.u32 @!p0 $0xF7A, s2;
	p2 =	seq.s32 @!p0 s5, $0x0  }
0x1f: {  	s9 =	smul.u32 $0xF7A, s1;
	s8 =	simm.s32 @!p0 $0x1BF5;
	p2 =	por !p2, p0  }
0x20: {  	[sflag:s8] =	ssyncset.s32 @!p0 $0xFFFFF086;
	s6 =	sadd.s32 @!p0 s3, s7;
	s7 =	simm.s32 @!p0 $0x108  }
0x21: {  	s3 =	sadd.s32 s3, s9;
	s6 =	sadd.s32 @!p0 $0x88, s6;
	s7 =	simm.s32 @p2 $0x1082  }
0x22: {  	[simem:s7], [sflag:s8] =	dma.local @!p0 [hbm:s6], $0xF7A  }
0x23: {  	s9 =	sor.u32 $0xD0000000, s2;
	s6 =	simm.s32 $0x108;
	_ =	swait.ge @!p0 [sflag:s8], $0x0  }
0x24: {  	s3 =	sadd.s32 $0x88, s3;
	s6 =	simm.s32 @!p1 $0x1082;
	[sflag:s4] =	ssyncset.s32 $0xFFFFF086  }
0x25: {  	[simem:s6], [sflag:s4] =	dma.local [hbm:s3], $0xF7A  }
0x26: {  	[smem:$0x3F99] =	sst s1;
	(tag) =	ssettag s2;
	_ =	strace s9  }
0x27: {  	s1 =	sld [smem:$0x3FA9]  }
0x28: {  	s2 =	sld [smem:$0x3FAA]  }
0x29: {  	s4 =	sld [smem:$0x3FAC]  }
0x2a: {  	p0 =	seq.s32 s5, $0x0;
	s5 =	sld [smem:$0x3FAD]  }
0x2b: {  	s6 =	sld [smem:$0x3FAE]  }
0x2c: {  	s7 =	sld [smem:$0x3FAF]  }
0x2d: {  	s3 =	simm.s32 $0x108;
	s8 =	sld [smem:$0x3FB0]  }
0x2e: {  	s3 =	simm.s32 @!p0 $0x1082;
	s9 =	sld [smem:$0x3FB1]  }
0x2f: {  	lr =	sadd.s32 s0, s3;
	s0 =	sld [smem:$0x3FA8]  }
0x30: {  	s3 =	sld [smem:$0x3FAB]  }
0x31: {  	[smem:$0x3FB4] =	sst s10  }
0x32: {  	s10 =	sld [smem:$0x3FB2];
	_ =	sdelay $0x3  }
0x33: {  	p0 =	seq.s32 s10, $0x1;
	s10 =	sld [smem:$0x3FB4];
	_ =	sdelay $0x3  }
0x34: {  	[smem:$0x3FB4] =	sst s10  }
0x35: {  	s10 =	sld [smem:$0x3FB3];
	_ =	sdelay $0x3  }
0x36: {  	p1 =	seq.s32 s10, $0x1;
	s10 =	sld [smem:$0x3FB4];
	_ =	sdelay $0x3  }
0x37: {  	[smem:$0x3FB4] =	sst s10  }
0x38: {  	s10 =	sld [smem:$0x3FB5]  }
0x39: {  	_ = 	snop;
	(pc) =	sbr.ind lr, $3  }
0x3a: {  	_ = 	snop  }
0x3b: {  	_ = 	snop  }
0x3c: {  	p2 =	seq.s32 s10, $0x1;
	s10 =	sld [smem:$0x3FB4]  }
0x3d: {  	_ =	shalt  }
0x3e: {  	_ =	shalt  }
0x3f: {  	_ =	shalt  }
0x40: {  	_ =	shalt  }
0x41: {  	_ =	shalt  }
0x42: {  	_ =	shalt  }
0x43: {  	_ =	shalt  }
0x44: {  	_ =	shalt  }
0x45: {  	_ =	shalt  }
0x46: {  	_ =	shalt  }
0x47: {  	_ =	shalt  }
0x48: {  	_ =	shalt  }
0x49: {  	_ =	shalt  }
0x4a: {  	_ =	shalt  }
0x4b: {  	_ =	shalt  }
0x4c: {  	_ =	shalt  }
0x4d: {  	_ =	shalt  }
0x4e: {  	_ =	shalt  }
0x4f: {  	_ =	shalt  }
0x50: {  	_ =	shalt  }
0x51: {  	_ =	shalt  }
0x52: {  	_ =	shalt  }
0x53: {  	_ =	shalt  }
0x54: {  	_ =	shalt  }
0x55: {  	_ =	shalt  }
0x56: {  	_ =	shalt  }
0x57: {  	_ =	shalt  }
0x58: {  	_ =	shalt  }
0x59: {  	_ =	shalt  }
0x5a: {  	_ =	shalt  }
0x5b: {  	_ =	shalt  }
0x5c: {  	_ =	shalt  }
0x5d: {  	_ =	shalt  }
0x5e: {  	_ =	shalt  }
0x5f: {  	_ =	shalt  }
0x60: {  	_ =	shalt  }
0x61: {  	_ =	shalt  }
0x62: {  	_ =	shalt  }
0x63: {  	_ =	shalt  }
0x64: {  	_ =	shalt  }
0x65: {  	_ =	shalt  }
0x66: {  	_ =	shalt  }
0x67: {  	_ =	shalt  }
0x68: {  	_ =	shalt  }
0x69: {  	_ =	shalt  }
0x6a: {  	_ =	shalt  }
0x6b: {  	_ =	shalt  }
0x6c: {  	_ =	shalt  }
0x6d: {  	_ =	shalt  }
0x6e: {  	_ =	shalt  }
0x6f: {  	_ =	shalt  }
0x70: {  	_ =	shalt  }
0x71: {  	_ =	shalt  }
0x72: {  	_ =	shalt  }
0x73: {  	_ =	shalt  }
0x74: {  	_ =	shalt  }
0x75: {  	_ =	shalt  }
0x76: {  	_ =	shalt  }
0x77: {  	_ =	shalt  }
0x78: {  	_ =	shalt  }
0x79: {  	_ =	shalt  }
0x7a: {  	_ =	shalt  }
0x7b: {  	_ =	shalt  }
0x7c: {  	_ =	shalt  }
0x7d: {  	_ =	shalt  }
0x7e: {  	_ =	shalt  }
0x7f: {  	_ =	shalt  }
0x80: {  	_ =	shalt  }
0x81: {  	_ =	shalt  }
0x82: {  	_ =	shalt  }
0x83: {  	_ =	shalt  }
0x84: {  	_ =	shalt  }
0x85: {  	_ =	shalt  }
0x86: {  	_ =	shalt  }
0x87: {  	_ =	shalt  }
.Lfunc_end0:
.L_simem_size_0:
called_computation_lowered:
.L_overlay_start_0:
0x88: {  	s2 =	sld [smem:$0x3FD9]  }
0x89: {  	s3 =	sld [smem:$0x3FFE];
	_ =	sdelay $0x1  }
0x8a: {  	s1 =	srdreg.scid  }
0x8b: {  	s0 =	sand.u32 $0x1, s1  }
0x8c: {  	s17 =	sshll.u32 s0, $0xA;
	s2 =	sadd.s32 s3, s2  }
0x8d: {  	s2 =	sadd.s32 s2, s17  }
0x8e: {  	[smem:$0x3FC0] =	sst s2  }
0x8f: {  	_ = 	snop  }
0x90: {  	s2 =	sld [smem:$0x3FD0];
	(tm) =	ssettm $0x1  }
0x91: {  	s18 =	sld [smem:$0x3FFB];
	_ =	sdelay $0x3  }
0x92: {  	_ =	strace s18  }
0x93: {  	s3 =	sld [smem:$0x3FFC];
	_ =	sdelay $0x3  }
0x94: {  	_ =	strace s3  }
0x95: {  	s3 =	sld [smem:$0x3FFD];
	_ =	sdelay $0x3  }
0x96: {  	_ =	strace s3  }
0x97: {  	_ =	strace $0x8FFFFFFF  }
0x98: {  	s19 =	sld [smem:$0x3FDB];
	_ =	sdelay $0x1  }
0x99: {  	s4 =	simm.s32 $_scs_section_size  }
0x9a: {  	s5 =	simm.s32 $_size__tile_overlayer_lowered;
	s6 =	simm.s32 $_tile_overlayer_lowered  }
0x9b: {  	s22 =	simm.s32 $0x1BFF;
	s21 =	sshll.u32 s6, $0x1;
	s3 =	sadd.s32 s4, s19  }
0x9c: {  	s7 =	simm.s32 $0x0;
	s20 =	sshll.u32 s5, $0x1;
	s5 =	sadd.s32 s21, s3  }
0x9d: {  	[timem:s7], [sflag:s22] =	dma.local [hbm:s5], s20  }
0x9e: {  	_ =	swait.ge [sflag:s22], s20  }
0x9f: {  	s4 =	ssub.s32 $0x0, s20;
	[sflag:s22] =	ssyncset.done $0x0  }
0xa0: {  	[sflag:s22] =	ssyncadd.s32 s4;
	_ =	sdelay $0x1  }
0xa1: {  	s23 =	simm.s32 $0x1B8B  }
0xa2: {  	_ =	swait.ge [sflag:s23], $0x1  }
0xa3: {  	[sflag:s23] =	ssyncset.done $0x0  }
0xa4: {  	s25 =	simm.s32 $0x1B8E;
	s24 =	sld [smem:$0x3FFE];
	[sflag:s23] =	ssyncadd.s32 $0xFFFFFFFF  }
0xa5: {  	s26 =	simm.s32 $execute0_lowered;
	[smem:$0x3FD2] =	sst s25  }
0xa6: {  	s5 =	sshll.u32 s26, $0x1;
	_ =	strace $0x80000046;
	[dreg:$0x1] =	wrdreg $0xFFFFFFFF  }
0xa7: {  	s28 =	simm.s32 $_size_execute0_lowered;
	s3 =	sadd.s32 s3, s5;
	[dreg:$0x0] =	wrdreg $0x0  }
0xa8: {  	s5 =	sshll.u32 s28, $0x1;
	[dreg:$0x2] =	wrdreg s3  }
0xa9: {  	[dreg:$0x3] =	wrdreg s5  }
0xaa: {  	[dreg:$0x4] =	wrdreg $0xC0  }
0xab: {  	_ =	task [dreg:s7], $0x5FFFF  }
0xac: {  	[dreg:$0x1] =	wrdreg $0xFFFFFFFF  }
0xad: {  	[dreg:$0x0] =	wrdreg $0x60  }
0xae: {  	[dreg:$0x2] =	wrdreg s2  }
0xaf: {  	[dreg:$0x3] =	wrdreg s24  }
0xb0: {  	[dreg:$0x4] =	wrdreg $0x9  }
0xb1: {  	_ =	task.clear_ibuf [dreg:s7], $0x5FFFF;
	_ =	strace $0x90000046  }
0xb2: {  	s29 =	simm.s32 $0x9;
	_ =	strace $0x80000048  }
0xb3: {  	_ =	swait.ge [sflag:s29], $0x1  }
0xb4: {  	[sflag:s29] =	ssyncadd.s32 $0xFFFFFFFF  }
0xb5: {  	_ =	strace $0x90000048  }
0xb6: {  	_ =	sfence  }
0xb7: {  	s30 =	sld [smem:$0x0];
	_ =	sdelay $0x2  }
0xb8: {  	s31 =	sshll.u32 s1, $0xD;
	s1 =	sshrl.u32 s1, $0x2  }
0xb9: {  	s3 =	sand.u32 $0x4000, s31;
	s1 =	sadd.s32 s1, s30  }
0xba: {  	s0 =	sor.u32 s3, s0;
	s1 =	sshll.u32 s1, $0x11  }
0xbb: {  	s0 =	sor.u32 s1, s0  }
0xbc: {  	s0 =	sadd.s32 $0x8F2B, s0  }
0xbd: {  	[sflag:s0] =	ssyncadd.remote.s32 $0x1  }
0xbe: {  	_ =	sfence.sel $0xFFFF  }
0xbf: {  	[dreg:$0x0] =	wrdreg $0xFFFFFFFF;
	(pc) =	sbr.abs _section_cstart, $3  }
0xc0: {  	[dreg:$0x1] =	wrdreg $0xFFFFFFFF  }
0xc1: {  	_ =	task.clear_ibuf [dreg:s7], $0x2FFFF;
	_ =	strace $0x9FFFFFFF  }
0xc2: {  	(tm) =	ssettm $0x7FFFFFFF  }
0xc3: {  	_ =	shalt  }
tec
execute0_lowered:
.L_overlay_start_1:
0x0: {  	(tag) =	ssettag $0x1  }
0x1: {  	s1 =	srdreg.scid;
	s4 =	rddreg [dreg:$0x0]  }
0x2: {  	s0 =	stileid.u32;
	s7 =	rddreg [dreg:$0x1]  }
0x3: {  	s2 =	simm.s32 $0x0;
	s10 =	simm.s32 $0x8000;
	s11 =	simm.s32 $0x8080  }
0x4: {  	s12 =	simm.s32 $0x800;
	s13 =	simm.s32 $0x1000;
	s14 =	simm.s32 $0x1800  }
0x5: {  	s15 =	simm.s32 $0x2000;
	s16 =	simm.s32 $0x2800;
	s17 =	simm.s32 $0x3000  }
0x6: {  	s18 =	simm.s32 $0x3800;
	s19 =	simm.s32 $0x4000;
	s20 =	simm.s32 $0x4800  }
0x7: {  	s21 =	simm.s32 $0x5000;
	s22 =	simm.s32 $0x5800;
	s23 =	simm.s32 $0x6000  }
0x8: {  	s24 =	simm.s32 $0x6800;
	s25 =	simm.s32 $0x7000;
	s26 =	simm.s32 $0x7800  }
0x9: {  	s28 =	simm.s32 $0x1;
	s3 =	sand.u32 $0x1, s1;
	s1 =	rddreg [dreg:$0x2]  }
0xa: {  	s5 =	sshll.u32 s0, $0x7;
	[smem:$0x7FF] =	sst s2;
	s6 =	sshll.u32 s3, $0x6  }
0xb: {  	s8 =	ssub.s32 $0x2, s3;
	_ =	strace $0x80000047;
	s5 =	sor.u32 s6, s5  }
0xc: {  	s3 =	sadd.s32 $0x2800, s7;
	s9 =	sshrl.u32 s8, $0x1;
	s6 =	sshrl.u32 s5, $0x3  }
0xd: {  	v2 =	vlaneseq.u32;
	s8 =	ssub.s32 s8, s9;
	s5 =	sshll.u32 s5, $0x6;
	s9 =	simm.s32 $0x2  }
0xe: {  	vm0 =	vmmov $0xffff;
	v1 =	vshrl.u32 v2, $0x3;
	s6 =	sadd.s32 s6, s7;
	s4 =	sadd.s32 s4, s5;
	s7 =	sadd.s32 $0x2900, s7  }
0xf: {  	v0 =	vand.u32 $0x7, v2;
	v2 =	vor.u32 $0x8, v2;
	v1 =	vmul.u32 $0x8, v1;
	s8 =	smax.u32 s8, $0x1;
	s5 =	sadd.s32 $0x2600, s6;
	s6 =	sadd.s32 $0x2400, s6  }
.LBB2_1:
0x10: {  	[tilespmem:s2], [sflag:$0x2] =	stream.linear.gather [hbm4b:s4+s2], $0x8000, $0x38;
	[tilespmem:$0x8100] =	vst v63  }
0x11: {  	_ =	swait.ge [sflag:s9], $0x8000  }
0x12: {  	[sflag:s9] =	ssyncset.done $0x0  }
0x13: {  	[sflag:s9] =	ssyncadd.s32 $0xFFFF8000  }
0x14: {  	[tilespmem:s10], [sflag:$0x2] =	stream.linear.gather [hbm4b:s5+s2], $0x40, $0x38;
	[tilespmem:$0x8100] =	vst v63  }
0x15: {  	_ =	swait.ge [sflag:s9], $0x40  }
0x16: {  	[sflag:s9] =	ssyncset.done $0x0  }
0x17: {  	[sflag:s9] =	ssyncadd.s32 $0xFFFFFFC0  }
0x18: {  	[tilespmem:s11], [sflag:$0x2] =	stream.linear.gather [hbm4b:s6+s2], $0x40, $0x38;
	[tilespmem:$0x8100] =	vst v63  }
0x19: {  	_ =	swait.ge [sflag:s9], $0x40  }
0x1a: {  	[sflag:s9] =	ssyncset.done $0x0  }
0x1b: {  	[sflag:s9] =	ssyncadd.s32 $0xFFFFFFC0  }
0x1c: {  	v3 =	vld [tilespmem:$0x8000];
	_ =	sdelay $0x4  }
0x1d: {  	v4 =	vshll.u32 v3, $0x2  }
0x1e: {  	v3 =	vand.u32 $0x7, v3;
	v4 =	vand.u32 $0xFFFFFFE0, v4  }
0x1f: {  	v3 =	vor.u32 v3, v4  }
0x20: {  	v4 =	vperm.xlane v3, v0;
	_ =	sdelay $0x1  }
0x21: {  	v4 =	vadd.s32 v1, v4;
	_ =	sdelay $0x1  }
0x22: {  	v3 =	vperm.xlane v3, v2;
	_ =	sdelay $0x1  }
0x23: {  	v3 =	vadd.s32 v1, v3  }
0x24: {  	[hbm4b:s3+s2] =	stream.indirect_vreg.scatter [tilespmem:s2], [sflag:$0x1], $0x80, v4, vm0, $0xb8;
	[tilespmem:$0x8100] =	vst v63  }
0x25: {  	_ = 	snop  }
0x26: {  	[hbm4b:s7+s2] =	stream.indirect_vreg.scatter [tilespmem:s12], [sflag:$0x1], $0x80, v4, vm0, $0xb8;
	[tilespmem:$0x8100] =	vst v63  }
0x27: {  	_ = 	snop  }
0x28: {  	[hbm4b:s3+s2] =	stream.indirect_vreg.scatter [tilespmem:s13], [sflag:$0x1], $0x80, v3, vm0, $0xb8;
	[tilespmem:$0x8100] =	vst v63  }
0x29: {  	_ = 	snop  }
0x2a: {  	[hbm4b:s7+s2] =	stream.indirect_vreg.scatter [tilespmem:s14], [sflag:$0x1], $0x80, v3, vm0, $0xb8;
	[tilespmem:$0x8100] =	vst v63  }
0x2b: {  	v3 =	vld [tilespmem:$0x8010];
	_ =	sdelay $0x4  }
0x2c: {  	v57 =	vshll.u32 v3, $0x2  }
0x2d: {  	v3 =	vand.u32 $0x7, v3;
	v4 =	vand.u32 $0xFFFFFFE0, v57  }
0x2e: {  	v3 =	vor.u32 v3, v4  }
0x2f: {  	v4 =	vperm.xlane v3, v0;
	_ =	sdelay $0x1  }
0x30: {  	v4 =	vadd.s32 v1, v4;
	_ =	sdelay $0x1  }
0x31: {  	v3 =	vperm.xlane v3, v2;
	_ =	sdelay $0x1  }
0x32: {  	v3 =	vadd.s32 v1, v3  }
0x33: {  	[hbm4b:s3+s2] =	stream.indirect_vreg.scatter [tilespmem:s15], [sflag:$0x1], $0x80, v4, vm0, $0xb8;
	[tilespmem:$0x8100] =	vst v63  }
0x34: {  	_ = 	snop  }
0x35: {  	[hbm4b:s7+s2] =	stream.indirect_vreg.scatter [tilespmem:s16], [sflag:$0x1], $0x80, v4, vm0, $0xb8;
	[tilespmem:$0x8100] =	vst v63  }
0x36: {  	_ = 	snop  }
0x37: {  	[hbm4b:s3+s2] =	stream.indirect_vreg.scatter [tilespmem:s17], [sflag:$0x1], $0x80, v3, vm0, $0xb8;
	[tilespmem:$0x8100] =	vst v63  }
0x38: {  	_ = 	snop  }
0x39: {  	[hbm4b:s7+s2] =	stream.indirect_vreg.scatter [tilespmem:s18], [sflag:$0x1], $0x80, v3, vm0, $0xb8;
	[tilespmem:$0x8100] =	vst v63  }
0x3a: {  	v3 =	vld [tilespmem:$0x8020];
	_ =	sdelay $0x4  }
0x3b: {  	v58 =	vshll.u32 v3, $0x2  }
0x3c: {  	v3 =	vand.u32 $0x7, v3;
	v4 =	vand.u32 $0xFFFFFFE0, v58  }
0x3d: {  	v3 =	vor.u32 v3, v4  }
0x3e: {  	v4 =	vperm.xlane v3, v0;
	_ =	sdelay $0x1  }
0x3f: {  	v4 =	vadd.s32 v1, v4;
	_ =	sdelay $0x1  }
0x40: {  	v3 =	vperm.xlane v3, v2;
	_ =	sdelay $0x1  }
0x41: {  	v3 =	vadd.s32 v1, v3  }
0x42: {  	[hbm4b:s3+s2] =	stream.indirect_vreg.scatter [tilespmem:s19], [sflag:$0x1], $0x80, v4, vm0, $0xb8;
	[tilespmem:$0x8100] =	vst v63  }
0x43: {  	_ = 	snop  }
0x44: {  	[hbm4b:s7+s2] =	stream.indirect_vreg.scatter [tilespmem:s20], [sflag:$0x1], $0x80, v4, vm0, $0xb8;
	[tilespmem:$0x8100] =	vst v63  }
0x45: {  	_ = 	snop  }
0x46: {  	[hbm4b:s3+s2] =	stream.indirect_vreg.scatter [tilespmem:s21], [sflag:$0x1], $0x80, v3, vm0, $0xb8;
	[tilespmem:$0x8100] =	vst v63  }
0x47: {  	_ = 	snop  }
0x48: {  	[hbm4b:s7+s2] =	stream.indirect_vreg.scatter [tilespmem:s22], [sflag:$0x1], $0x80, v3, vm0, $0xb8;
	[tilespmem:$0x8100] =	vst v63  }
0x49: {  	v3 =	vld [tilespmem:$0x8030];
	_ =	sdelay $0x4  }
0x4a: {  	v59 =	vshll.u32 v3, $0x2  }
0x4b: {  	v3 =	vand.u32 $0x7, v3;
	v4 =	vand.u32 $0xFFFFFFE0, v59  }
0x4c: {  	v3 =	vor.u32 v3, v4  }
0x4d: {  	v4 =	vperm.xlane v3, v0;
	_ =	sdelay $0x1  }
0x4e: {  	v4 =	vadd.s32 v1, v4;
	_ =	sdelay $0x1  }
0x4f: {  	v3 =	vperm.xlane v3, v2;
	_ =	sdelay $0x1  }
0x50: {  	v3 =	vadd.s32 v1, v3  }
0x51: {  	[hbm4b:s3+s2] =	stream.indirect_vreg.scatter [tilespmem:s23], [sflag:$0x1], $0x80, v4, vm0, $0xb8;
	[tilespmem:$0x8100] =	vst v63  }
0x52: {  	_ = 	snop  }
0x53: {  	[hbm4b:s7+s2] =	stream.indirect_vreg.scatter [tilespmem:s24], [sflag:$0x1], $0x80, v4, vm0, $0xb8;
	[tilespmem:$0x8100] =	vst v63  }
0x54: {  	_ = 	snop  }
0x55: {  	[hbm4b:s3+s2] =	stream.indirect_vreg.scatter [tilespmem:s25], [sflag:$0x1], $0x80, v3, vm0, $0xb8;
	[tilespmem:$0x8100] =	vst v63  }
0x56: {  	_ = 	snop  }
0x57: {  	[hbm4b:s7+s2] =	stream.indirect_vreg.scatter [tilespmem:s26], [sflag:$0x1], $0x80, v3, vm0, $0xb8;
	[tilespmem:$0x8100] =	vst v63  }
0x58: {  	_ =	swait.ge [sflag:s28], $0x8000  }
0x59: {  	[sflag:s28] =	ssyncset.done $0x0  }
0x5a: {  	[sflag:s28] =	ssyncadd.s32 $0xFFFF8000  }
0x5b: {  	v3 =	vld [tilespmem:$0x8080];
	_ =	sdelay $0x4  }
0x5c: {  	v60 =	vshll.u32 v3, $0x2  }
0x5d: {  	v3 =	vand.u32 $0x7, v3;
	v4 =	vand.u32 $0xFFFFFFE0, v60  }
0x5e: {  	v3 =	vor.u32 v3, v4  }
0x5f: {  	v4 =	vperm.xlane v3, v0;
	_ =	sdelay $0x1  }
0x60: {  	v4 =	vadd.s32 v1, v4;
	_ =	sdelay $0x1  }
0x61: {  	v3 =	vperm.xlane v3, v2;
	_ =	sdelay $0x1  }
0x62: {  	v3 =	vadd.s32 v1, v3  }
0x63: {  	[hbm4b:s3+s2] =	stream.indirect_vreg.scatter [tilespmem:s2], [sflag:$0x1], $0x80, v4, vm0, $0xb8;
	[tilespmem:$0x8100] =	vst v63  }
0x64: {  	_ = 	snop  }
0x65: {  	[hbm4b:s7+s2] =	stream.indirect_vreg.scatter [tilespmem:s12], [sflag:$0x1], $0x80, v4, vm0, $0xb8;
	[tilespmem:$0x8100] =	vst v63  }
0x66: {  	_ = 	snop  }
0x67: {  	[hbm4b:s3+s2] =	stream.indirect_vreg.scatter [tilespmem:s13], [sflag:$0x1], $0x80, v3, vm0, $0xb8;
	[tilespmem:$0x8100] =	vst v63  }
0x68: {  	_ = 	snop  }
0x69: {  	[hbm4b:s7+s2] =	stream.indirect_vreg.scatter [tilespmem:s14], [sflag:$0x1], $0x80, v3, vm0, $0xb8;
	[tilespmem:$0x8100] =	vst v63  }
0x6a: {  	v3 =	vld [tilespmem:$0x8090];
	_ =	sdelay $0x4  }
0x6b: {  	v61 =	vshll.u32 v3, $0x2  }
0x6c: {  	v3 =	vand.u32 $0x7, v3;
	v4 =	vand.u32 $0xFFFFFFE0, v61  }
0x6d: {  	v3 =	vor.u32 v3, v4  }
0x6e: {  	v4 =	vperm.xlane v3, v0;
	_ =	sdelay $0x1  }
0x6f: {  	v4 =	vadd.s32 v1, v4;
	_ =	sdelay $0x1  }
0x70: {  	v3 =	vperm.xlane v3, v2;
	_ =	sdelay $0x1  }
0x71: {  	v3 =	vadd.s32 v1, v3  }
0x72: {  	[hbm4b:s3+s2] =	stream.indirect_vreg.scatter [tilespmem:s15], [sflag:$0x1], $0x80, v4, vm0, $0xb8;
	[tilespmem:$0x8100] =	vst v63  }
0x73: {  	_ = 	snop  }
0x74: {  	[hbm4b:s7+s2] =	stream.indirect_vreg.scatter [tilespmem:s16], [sflag:$0x1], $0x80, v4, vm0, $0xb8;
	[tilespmem:$0x8100] =	vst v63  }
0x75: {  	_ = 	snop  }
0x76: {  	[hbm4b:s3+s2] =	stream.indirect_vreg.scatter [tilespmem:s17], [sflag:$0x1], $0x80, v3, vm0, $0xb8;
	[tilespmem:$0x8100] =	vst v63  }
0x77: {  	_ = 	snop  }
0x78: {  	[hbm4b:s7+s2] =	stream.indirect_vreg.scatter [tilespmem:s18], [sflag:$0x1], $0x80, v3, vm0, $0xb8;
	[tilespmem:$0x8100] =	vst v63  }
0x79: {  	v3 =	vld [tilespmem:$0x80A0];
	_ =	sdelay $0x4  }
0x7a: {  	v62 =	vshll.u32 v3, $0x2  }
0x7b: {  	v3 =	vand.u32 $0x7, v3;
	v4 =	vand.u32 $0xFFFFFFE0, v62  }
0x7c: {  	v3 =	vor.u32 v3, v4  }
0x7d: {  	v4 =	vperm.xlane v3, v0;
	_ =	sdelay $0x1  }
0x7e: {  	v4 =	vadd.s32 v1, v4;
	_ =	sdelay $0x1  }
0x7f: {  	v3 =	vperm.xlane v3, v2;
	_ =	sdelay $0x1  }
0x80: {  	v3 =	vadd.s32 v1, v3  }
0x81: {  	[hbm4b:s3+s2] =	stream.indirect_vreg.scatter [tilespmem:s19], [sflag:$0x1], $0x80, v4, vm0, $0xb8;
	[tilespmem:$0x8100] =	vst v63  }
0x82: {  	_ = 	snop  }
0x83: {  	[hbm4b:s7+s2] =	stream.indirect_vreg.scatter [tilespmem:s20], [sflag:$0x1], $0x80, v4, vm0, $0xb8;
	[tilespmem:$0x8100] =	vst v63  }
0x84: {  	_ = 	snop  }
0x85: {  	[hbm4b:s3+s2] =	stream.indirect_vreg.scatter [tilespmem:s21], [sflag:$0x1], $0x80, v3, vm0, $0xb8;
	[tilespmem:$0x8100] =	vst v63  }
0x86: {  	_ = 	snop  }
0x87: {  	[hbm4b:s7+s2] =	stream.indirect_vreg.scatter [tilespmem:s22], [sflag:$0x1], $0x80, v3, vm0, $0xb8;
	[tilespmem:$0x8100] =	vst v63  }
0x88: {  	v3 =	vld [tilespmem:$0x80B0];
	_ =	sdelay $0x4  }
0x89: {  	v63 =	vshll.u32 v3, $0x2  }
0x8a: {  	v3 =	vand.u32 $0x7, v3;
	v4 =	vand.u32 $0xFFFFFFE0, v63  }
0x8b: {  	v3 =	vor.u32 v3, v4  }
0x8c: {  	v4 =	vperm.xlane v3, v0;
	_ =	sdelay $0x1  }
0x8d: {  	v4 =	vadd.s32 v1, v4;
	_ =	sdelay $0x1  }
0x8e: {  	v3 =	vperm.xlane v3, v2;
	_ =	sdelay $0x1  }
0x8f: {  	v3 =	vadd.s32 v1, v3  }
0x90: {  	[hbm4b:s3+s2] =	stream.indirect_vreg.scatter [tilespmem:s23], [sflag:$0x1], $0x80, v4, vm0, $0xb8;
	[tilespmem:$0x8100] =	vst v63  }
0x91: {  	_ = 	snop  }
0x92: {  	[hbm4b:s7+s2] =	stream.indirect_vreg.scatter [tilespmem:s24], [sflag:$0x1], $0x80, v4, vm0, $0xb8;
	[tilespmem:$0x8100] =	vst v63  }
0x93: {  	p0 =	sne.s32 s8, $0x1  }
0x94: {  	[hbm4b:s3+s2] =	stream.indirect_vreg.scatter [tilespmem:s25], [sflag:$0x1], $0x80, v3, vm0, $0xb8;
	[tilespmem:$0x8100] =	vst v63  }
.Ltmp0:
0x95: {  	_ = 	snop;
	(pc) =	sbr.rel @p0 .LBB2_1-.Ltmp0, $4  }
0x96: {  	[hbm4b:s7+s2] =	stream.indirect_vreg.scatter [tilespmem:s26], [sflag:$0x1], $0x80, v3, vm0, $0xb8;
	[tilespmem:$0x8100] =	vst v63  }
0x97: {  	_ =	swait.ge [sflag:s28], $0x8000  }
0x98: {  	[sflag:s28] =	ssyncset.done $0x0  }
0x99: {  	s8 =	sadd.s32 $0xFFFFFFFF, s8;
	[sflag:s28] =	ssyncadd.s32 $0xFFFF8000  }
0x9a: {  	_ =	sfence.sel $0x180000  }
0x9b: {  	[bflag:$0x0] =	sbarrier.arrive $0xFFFF  }
0x9c: {  	p0 =	sne.s32 s0, $0x0;
	_ =	strace $0x90000047  }
0x9d: {  	s0 =	sadd.s32 @!p0 $0x100000, s1;
	[bflag:$0x2] =	sbarrier.arrive $0xFFFF  }
0x9e: {  	[sflag:s0] =	ssyncadd.tile.s32 @!p0 $0x1;
	_ =	shalt  }
.Lfunc_end2:
_tile_overlayer_lowered:
.L_overlay_start_2:
0x9f: {  	(tag) =	ssettag $0x2  }
0xa0: {  	s0 =	rddreg [dreg:$0x0];
	s2 =	stileid.u32  }
0xa1: {  	s1 =	rddreg [dreg:$0x1];
	p0 =	sne.s32 s2, $0x0  }
0xa2: {  	s3 =	rddreg [dreg:$0x2];
	[bflag:$0x3] =	sbarrier.arrive $0xFFFF;
	s2 =	simm.s32 @!p0 $0x1C02  }
0xa3: {  	[timem:s3], [sflag:s2] =	dma.local @!p0 [hbm:s0], s1  }
0xa4: {  	s0 =	simm.s32 @!p0 $0x2  }
0xa5: {  	_ =	swait.ge @!p0 [sflag:s0], s1  }
0xa6: {  	s1 =	ssub.s32 @!p0 $0x0, s1;
	[sflag:s0] =	ssyncset.done @!p0 $0x0  }
0xa7: {  	[sflag:s0] =	ssyncadd.s32 @!p0 s1  }
0xa8: {  	[bflag:$0x3] =	sbarrier.arrive $0xFFFF  }
0xa9: {  	_ =	shalt  }

</sc_bundles>
